<compile_context>
chip_gen: v7x
topology: tpu7x:2x2x1
jax: 0.10.2.dev20260603
libtpu: 0.0.44.dev20260713+nightly
codegen_flags: <defaults>
</compile_context>

<pallas_src>
import jax
import jax.numpy as jnp
from jax import lax
from jax.experimental import pallas as pl
from jax.experimental.pallas import tpu as pltpu
from jax.experimental.pallas import tpu_sc as plsc

NV_PREV = 10242
NW = 32
PER_W = NV_PREV // NW
TAIL = NV_PREV - PER_W * NW
NCHUNK = 8
CH = PER_W // NCHUNK
NBUF = 3


def _make_body(num_cores):
    def _sc_body(x_hbm, o_hbm, buf, in_sems, out_sems, tail_sem):
        xr = x_hbm
        orr = o_hbm
        wid = lax.axis_index("s") * num_cores + lax.axis_index("c")
        base = wid * PER_W

        def in_cp(k):
            return pltpu.make_async_copy(
                xr.at[pl.ds(base + k * CH, CH)], buf.at[k % NBUF],
                in_sems.at[k % NBUF])

        def out_cp(k):
            return pltpu.make_async_copy(
                buf.at[k % NBUF], orr.at[pl.ds(base + k * CH, CH)],
                out_sems.at[k % NBUF])

        in_cp(0).start()
        in_cp(1).start()
        for k in range(NCHUNK):
            in_cp(k).wait()
            out_cp(k).start()
            nk = k + 2
            if nk < NCHUNK:
                if nk >= NBUF:
                    out_cp(nk - NBUF).wait()
                in_cp(nk).start()
        for k in range(NCHUNK - NBUF, NCHUNK):
            out_cp(k).wait()

        @pl.when(wid == 0)
        def _tail():
            cp = pltpu.make_async_copy(
                xr.at[pl.ds(NW * PER_W, TAIL)],
                buf.at[0, pl.ds(0, TAIL)], tail_sem)
            cp.start()
            cp.wait()
            cp2 = pltpu.make_async_copy(
                buf.at[0, pl.ds(0, TAIL)],
                orr.at[pl.ds(NW * PER_W, TAIL)], tail_sem)
            cp2.start()
            cp2.wait()

    return _sc_body


def kernel(x):
    n, a, b, c = x.shape
    mesh = plsc.VectorSubcoreMesh(core_axis_name="c", subcore_axis_name="s")
    run = pl.kernel(
        _make_body(mesh.num_cores),
        out_type=jax.ShapeDtypeStruct((NV_PREV, a, b, c), x.dtype),
        mesh=mesh,
        compiler_params=pltpu.CompilerParams(use_tc_tiling_on_sc=False),
        scratch_types=[
            pltpu.VMEM((NBUF, CH, 4, 4, 64), x.dtype),
            pltpu.SemaphoreType.DMA((NBUF,)),
            pltpu.SemaphoreType.DMA((NBUF,)),
            pltpu.SemaphoreType.DMA,
        ],
    )
    return run(x)

# --- scband reference (transcript-rebuilt; emitter-appended) ---
"""Pipeline reference for scband-pool-73057393705103 (READ-ONLY COPY).

The authoritative reference and input builder live on the scoring server;
editing this copy changes nothing except your own understanding.
"""

import jax, jax.numpy as jnp
import numpy as np

LEVEL = 5
NV_PREV = 10 * 4 ** LEVEL + 2  # 10242


def setup_inputs(seed: int = 0) -> dict:
    key = jax.random.key(seed)
    x = jax.random.normal(key, (40962, 4, 4, 64), dtype=jnp.float32)
    return {"x": x}


def reference(x):
    # pool_type is None -> downSample path: keep the first nv_prev vertices
    # (icosphere vertex ordering nests coarse-level vertices as a prefix).
    return x[:NV_PREV, ...]

if __name__ == "__main__":
    import jax
    _d = setup_inputs()
    print(jax.jit(kernel)(*tuple(_d.values())))

</pallas_src>

<mosaic_0001>
#map = affine_map<(d0, d1) -> (0, 0, 0, 0)>
module attributes {stable_mosaic.version = 14 : i64} {
  func.func @_sc_body(%arg0: i32, %arg1: i32, %arg2: memref<40962x4x4x64xf32, #tpu.memory_space<hbm>>, %arg3: memref<10242x4x4x64xf32, #tpu.memory_space<hbm>>, %arg4: memref<3x40x4x4x64xf32, #tpu.memory_space<vmem>>, %arg5: memref<3x!tpu.dma_semaphore, #tpu.memory_space<semaphore_mem>>, %arg6: memref<3x!tpu.dma_semaphore, #tpu.memory_space<semaphore_mem>>, %arg7: memref<!tpu.dma_semaphore, #tpu.memory_space<semaphore_mem>>) attributes {dimension_semantics = [#tpu.dimension_semantics<core_parallel>, #tpu.dimension_semantics<subcore_parallel>], iteration_bounds = array<i64: 2, 16>, scalar_prefetch = 0 : i64, scratch_operands = 4 : i64, tpu.core_type = #tpu.core_type<sc_vector_subcore>, window_params = [{transform_indices = #map}, {transform_indices = #map}]} {
    %mul3A = arith.constant 2 : i32
    %mul3A_0 = arith.muli %arg1, %mul3A : i32
    %add3A = arith.addi %mul3A_0, %arg0 : i32
    %mul3A_1 = arith.constant 320 : i32
    %mul3A_2 = arith.muli %add3A, %mul3A_1 : i32
    %add3A_3 = arith.constant 0 : i32
    %add3A_4 = arith.addi %mul3A_2, %add3A_3 : i32
    %dma_start3A = arith.constant 0 : i32
    %dma_start3A_5 = arith.constant 0 : i32
    %dma_start3A_6 = arith.constant 0 : i32
    %dma_start3A_7 = arith.constant 0 : i32
    %dma_start3A_8 = arith.constant 0 : i32
    %dma_start3A_9 = arith.constant 0 : i32
    %dma_start3A_10 = tpu.memref_slice %arg4[%dma_start3A, %dma_start3A_6, %dma_start3A_7, %dma_start3A_8, %dma_start3A_9] : memref<3x40x4x4x64xf32, #tpu.memory_space<vmem>> -> memref<1x40x4x4x64xf32, #tpu.memory_space<vmem>>
    %dma_start3A_11 = tpu.memref_squeeze %dma_start3A_10 : memref<1x40x4x4x64xf32, #tpu.memory_space<vmem>> -> memref<40x4x4x64xf32, #tpu.memory_space<vmem>>
    %dma_start3A_12 = arith.constant 0 : i32
    %dma_start3A_13 = arith.constant 0 : i32
    %dma_start3A_14 = arith.constant 0 : i32
    %dma_start3A_15 = tpu.memref_slice %arg2[%add3A_4, %dma_start3A_12, %dma_start3A_13, %dma_start3A_14] : memref<40962x4x4x64xf32, #tpu.memory_space<hbm>> -> memref<40x4x4x64xf32, #tpu.memory_space<hbm>>
    %dma_start3A_16 = tpu.memref_slice %arg5[%dma_start3A_5] : memref<3x!tpu.dma_semaphore, #tpu.memory_space<semaphore_mem>> -> memref<1x!tpu.dma_semaphore, #tpu.memory_space<semaphore_mem>>
    %dma_start3A_17 = tpu.memref_squeeze %dma_start3A_16 : memref<1x!tpu.dma_semaphore, #tpu.memory_space<semaphore_mem>> -> memref<!tpu.dma_semaphore, #tpu.memory_space<semaphore_mem>>
    %dma_start3A_18 = arith.constant 0 : i32
    %dma_start3A_19 = arith.constant 0 : i32
    %dma_start3A_20 = arith.constant 0 : i32
    %dma_start3A_21 = arith.constant 0 : i32
    %dma_start3A_22 = tpu.memref_slice %arg4[%dma_start3A, %dma_start3A_18, %dma_start3A_19, %dma_start3A_20, %dma_start3A_21] : memref<3x40x4x4x64xf32, #tpu.memory_space<vmem>> -> memref<1x40x4x4x64xf32, #tpu.memory_space<vmem>>
    %dma_start3A_23 = tpu.memref_squeeze %dma_start3A_22 : memref<1x40x4x4x64xf32, #tpu.memory_space<vmem>> -> memref<40x4x4x64xf32, #tpu.memory_space<vmem>>
    %dma_start3A_24 = arith.constant 0 : i32
    %dma_start3A_25 = arith.constant 0 : i32
    %dma_start3A_26 = arith.constant 0 : i32
    %dma_start3A_27 = tpu.memref_slice %arg2[%add3A_4, %dma_start3A_24, %dma_start3A_25, %dma_start3A_26] : memref<40962x4x4x64xf32, #tpu.memory_space<hbm>> -> memref<40x4x4x64xf32, #tpu.memory_space<hbm>>
    tpu.enqueue_dma source(%dma_start3A_27 : memref<40x4x4x64xf32, #tpu.memory_space<hbm>>) target(%dma_start3A_23 : memref<40x4x4x64xf32, #tpu.memory_space<vmem>>) target_semaphore(%dma_start3A_17 : memref<!tpu.dma_semaphore, #tpu.memory_space<semaphore_mem>>)
    %add3A_28 = arith.constant 40 : i32
    %add3A_29 = arith.addi %mul3A_2, %add3A_28 : i32
    %dma_start3A_30 = arith.constant 1 : i32
    %dma_start3A_31 = arith.constant 1 : i32
    %dma_start3A_32 = arith.constant 0 : i32
    %dma_start3A_33 = arith.constant 0 : i32
    %dma_start3A_34 = arith.constant 0 : i32
    %dma_start3A_35 = arith.constant 0 : i32
    %dma_start3A_36 = tpu.memref_slice %arg4[%dma_start3A_30, %dma_start3A_32, %dma_start3A_33, %dma_start3A_34, %dma_start3A_35] : memref<3x40x4x4x64xf32, #tpu.memory_space<vmem>> -> memref<1x40x4x4x64xf32, #tpu.memory_space<vmem>>
    %dma_start3A_37 = tpu.memref_squeeze %dma_start3A_36 : memref<1x40x4x4x64xf32, #tpu.memory_space<vmem>> -> memref<40x4x4x64xf32, #tpu.memory_space<vmem>>
    %dma_start3A_38 = arith.constant 0 : i32
    %dma_start3A_39 = arith.constant 0 : i32
    %dma_start3A_40 = arith.constant 0 : i32
    %dma_start3A_41 = tpu.memref_slice %arg2[%add3A_29, %dma_start3A_38, %dma_start3A_39, %dma_start3A_40] : memref<40962x4x4x64xf32, #tpu.memory_space<hbm>> -> memref<40x4x4x64xf32, #tpu.memory_space<hbm>>
    %dma_start3A_42 = tpu.memref_slice %arg5[%dma_start3A_31] : memref<3x!tpu.dma_semaphore, #tpu.memory_space<semaphore_mem>> -> memref<1x!tpu.dma_semaphore, #tpu.memory_space<semaphore_mem>>
    %dma_start3A_43 = tpu.memref_squeeze %dma_start3A_42 : memref<1x!tpu.dma_semaphore, #tpu.memory_space<semaphore_mem>> -> memref<!tpu.dma_semaphore, #tpu.memory_space<semaphore_mem>>
    %dma_start3A_44 = arith.constant 0 : i32
    %dma_start3A_45 = arith.constant 0 : i32
    %dma_start3A_46 = arith.constant 0 : i32
    %dma_start3A_47 = arith.constant 0 : i32
    %dma_start3A_48 = tpu.memref_slice %arg4[%dma_start3A_30, %dma_start3A_44, %dma_start3A_45, %dma_start3A_46, %dma_start3A_47] : memref<3x40x4x4x64xf32, #tpu.memory_space<vmem>> -> memref<1x40x4x4x64xf32, #tpu.memory_space<vmem>>
    %dma_start3A_49 = tpu.memref_squeeze %dma_start3A_48 : memref<1x40x4x4x64xf32, #tpu.memory_space<vmem>> -> memref<40x4x4x64xf32, #tpu.memory_space<vmem>>
    %dma_start3A_50 = arith.constant 0 : i32
    %dma_start3A_51 = arith.constant 0 : i32
    %dma_start3A_52 = arith.constant 0 : i32
    %dma_start3A_53 = tpu.memref_slice %arg2[%add3A_29, %dma_start3A_50, %dma_start3A_51, %dma_start3A_52] : memref<40962x4x4x64xf32, #tpu.memory_space<hbm>> -> memref<40x4x4x64xf32, #tpu.memory_space<hbm>>
    tpu.enqueue_dma source(%dma_start3A_53 : memref<40x4x4x64xf32, #tpu.memory_space<hbm>>) target(%dma_start3A_49 : memref<40x4x4x64xf32, #tpu.memory_space<vmem>>) target_semaphore(%dma_start3A_43 : memref<!tpu.dma_semaphore, #tpu.memory_space<semaphore_mem>>)
    %add3A_54 = arith.constant 0 : i32
    %add3A_55 = arith.addi %mul3A_2, %add3A_54 : i32
    %dma_wait3A = arith.constant 0 : i32
    %dma_wait3A_56 = arith.constant 0 : i32
    %dma_wait3A_57 = arith.constant 0 : i32
    %dma_wait3A_58 = arith.constant 0 : i32
    %dma_wait3A_59 = arith.constant 0 : i32
    %dma_wait3A_60 = arith.constant 0 : i32
    %dma_wait3A_61 = tpu.memref_slice %arg4[%dma_wait3A, %dma_wait3A_57, %dma_wait3A_58, %dma_wait3A_59, %dma_wait3A_60] : memref<3x40x4x4x64xf32, #tpu.memory_space<vmem>> -> memref<1x40x4x4x64xf32, #tpu.memory_space<vmem>>
    %dma_wait3A_62 = tpu.memref_squeeze %dma_wait3A_61 : memref<1x40x4x4x64xf32, #tpu.memory_space<vmem>> -> memref<40x4x4x64xf32, #tpu.memory_space<vmem>>
    %dma_wait3A_63 = arith.constant 0 : i32
    %dma_wait3A_64 = arith.constant 0 : i32
    %dma_wait3A_65 = arith.constant 0 : i32
    %dma_wait3A_66 = tpu.memref_slice %arg2[%add3A_55, %dma_wait3A_63, %dma_wait3A_64, %dma_wait3A_65] : memref<40962x4x4x64xf32, #tpu.memory_space<hbm>> -> memref<40x4x4x64xf32, #tpu.memory_space<hbm>>
    %dma_wait3A_67 = tpu.memref_slice %arg5[%dma_wait3A_56] : memref<3x!tpu.dma_semaphore, #tpu.memory_space<semaphore_mem>> -> memref<1x!tpu.dma_semaphore, #tpu.memory_space<semaphore_mem>>
    %dma_wait3A_68 = tpu.memref_squeeze %dma_wait3A_67 : memref<1x!tpu.dma_semaphore, #tpu.memory_space<semaphore_mem>> -> memref<!tpu.dma_semaphore, #tpu.memory_space<semaphore_mem>>
    %dma_wait3A_69 = arith.constant 0 : i32
    %dma_wait3A_70 = arith.constant 0 : i32
    %dma_wait3A_71 = arith.constant 0 : i32
    %dma_wait3A_72 = arith.constant 0 : i32
    %dma_wait3A_73 = tpu.memref_slice %arg4[%dma_wait3A, %dma_wait3A_69, %dma_wait3A_70, %dma_wait3A_71, %dma_wait3A_72] : memref<3x40x4x4x64xf32, #tpu.memory_space<vmem>> -> memref<1x40x4x4x64xf32, #tpu.memory_space<vmem>>
    %dma_wait3A_74 = tpu.memref_squeeze %dma_wait3A_73 : memref<1x40x4x4x64xf32, #tpu.memory_space<vmem>> -> memref<40x4x4x64xf32, #tpu.memory_space<vmem>>
    %dma_wait3A_75 = arith.constant 0 : i32
    %dma_wait3A_76 = arith.constant 0 : i32
    %dma_wait3A_77 = arith.constant 0 : i32
    %dma_wait3A_78 = tpu.memref_slice %arg2[%add3A_55, %dma_wait3A_75, %dma_wait3A_76, %dma_wait3A_77] : memref<40962x4x4x64xf32, #tpu.memory_space<hbm>> -> memref<40x4x4x64xf32, #tpu.memory_space<hbm>>
    tpu.wait_dma2 semaphore(%dma_wait3A_68 : memref<!tpu.dma_semaphore, #tpu.memory_space<semaphore_mem>>) src(%dma_wait3A_78 : memref<40x4x4x64xf32, #tpu.memory_space<hbm>>) dst(%dma_wait3A_74 : memref<40x4x4x64xf32, #tpu.memory_space<vmem>>)
    %add3A_79 = arith.constant 0 : i32
    %add3A_80 = arith.addi %mul3A_2, %add3A_79 : i32
    %dma_start3A_81 = arith.constant 0 : i32
    %dma_start3A_82 = arith.constant 0 : i32
    %dma_start3A_83 = arith.constant 0 : i32
    %dma_start3A_84 = arith.constant 0 : i32
    %dma_start3A_85 = arith.constant 0 : i32
    %dma_start3A_86 = arith.constant 0 : i32
    %dma_start3A_87 = tpu.memref_slice %arg4[%dma_start3A_81, %dma_start3A_83, %dma_start3A_84, %dma_start3A_85, %dma_start3A_86] : memref<3x40x4x4x64xf32, #tpu.memory_space<vmem>> -> memref<1x40x4x4x64xf32, #tpu.memory_space<vmem>>
    %dma_start3A_88 = tpu.memref_squeeze %dma_start3A_87 : memref<1x40x4x4x64xf32, #tpu.memory_space<vmem>> -> memref<40x4x4x64xf32, #tpu.memory_space<vmem>>
    %dma_start3A_89 = arith.constant 0 : i32
    %dma_start3A_90 = arith.constant 0 : i32
    %dma_start3A_91 = arith.constant 0 : i32
    %dma_start3A_92 = tpu.memref_slice %arg3[%add3A_80, %dma_start3A_89, %dma_start3A_90, %dma_start3A_91] : memref<10242x4x4x64xf32, #tpu.memory_space<hbm>> -> memref<40x4x4x64xf32, #tpu.memory_space<hbm>>
    %dma_start3A_93 = tpu.memref_slice %arg6[%dma_start3A_82] : memref<3x!tpu.dma_semaphore, #tpu.memory_space<semaphore_mem>> -> memref<1x!tpu.dma_semaphore, #tpu.memory_space<semaphore_mem>>
    %dma_start3A_94 = tpu.memref_squeeze %dma_start3A_93 : memref<1x!tpu.dma_semaphore, #tpu.memory_space<semaphore_mem>> -> memref<!tpu.dma_semaphore, #tpu.memory_space<semaphore_mem>>
    %dma_start3A_95 = arith.constant 0 : i32
    %dma_start3A_96 = arith.constant 0 : i32
    %dma_start3A_97 = arith.constant 0 : i32
    %dma_start3A_98 = tpu.memref_slice %arg3[%add3A_80, %dma_start3A_95, %dma_start3A_96, %dma_start3A_97] : memref<10242x4x4x64xf32, #tpu.memory_space<hbm>> -> memref<40x4x4x64xf32, #tpu.memory_space<hbm>>
    %dma_start3A_99 = arith.constant 0 : i32
    %dma_start3A_100 = arith.constant 0 : i32
    %dma_start3A_101 = arith.constant 0 : i32
    %dma_start3A_102 = arith.constant 0 : i32
    %dma_start3A_103 = tpu.memref_slice %arg4[%dma_start3A_81, %dma_start3A_99, %dma_start3A_100, %dma_start3A_101, %dma_start3A_102] : memref<3x40x4x4x64xf32, #tpu.memory_space<vmem>> -> memref<1x40x4x4x64xf32, #tpu.memory_space<vmem>>
    %dma_start3A_104 = tpu.memref_squeeze %dma_start3A_103 : memref<1x40x4x4x64xf32, #tpu.memory_space<vmem>> -> memref<40x4x4x64xf32, #tpu.memory_space<vmem>>
    tpu.enqueue_dma source(%dma_start3A_104 : memref<40x4x4x64xf32, #tpu.memory_space<vmem>>) target(%dma_start3A_98 : memref<40x4x4x64xf32, #tpu.memory_space<hbm>>) target_semaphore(%dma_start3A_94 : memref<!tpu.dma_semaphore, #tpu.memory_space<semaphore_mem>>)
    %add3A_105 = arith.constant 80 : i32
    %add3A_106 = arith.addi %mul3A_2, %add3A_105 : i32
    %dma_start3A_107 = arith.constant 2 : i32
    %dma_start3A_108 = arith.constant 2 : i32
    %dma_start3A_109 = arith.constant 0 : i32
    %dma_start3A_110 = arith.constant 0 : i32
    %dma_start3A_111 = arith.constant 0 : i32
    %dma_start3A_112 = arith.constant 0 : i32
    %dma_start3A_113 = tpu.memref_slice %arg4[%dma_start3A_107, %dma_start3A_109, %dma_start3A_110, %dma_start3A_111, %dma_start3A_112] : memref<3x40x4x4x64xf32, #tpu.memory_space<vmem>> -> memref<1x40x4x4x64xf32, #tpu.memory_space<vmem>>
    %dma_start3A_114 = tpu.memref_squeeze %dma_start3A_113 : memref<1x40x4x4x64xf32, #tpu.memory_space<vmem>> -> memref<40x4x4x64xf32, #tpu.memory_space<vmem>>
    %dma_start3A_115 = arith.constant 0 : i32
    %dma_start3A_116 = arith.constant 0 : i32
    %dma_start3A_117 = arith.constant 0 : i32
    %dma_start3A_118 = tpu.memref_slice %arg2[%add3A_106, %dma_start3A_115, %dma_start3A_116, %dma_start3A_117] : memref<40962x4x4x64xf32, #tpu.memory_space<hbm>> -> memref<40x4x4x64xf32, #tpu.memory_space<hbm>>
    %dma_start3A_119 = tpu.memref_slice %arg5[%dma_start3A_108] : memref<3x!tpu.dma_semaphore, #tpu.memory_space<semaphore_mem>> -> memref<1x!tpu.dma_semaphore, #tpu.memory_space<semaphore_mem>>
    %dma_start3A_120 = tpu.memref_squeeze %dma_start3A_119 : memref<1x!tpu.dma_semaphore, #tpu.memory_space<semaphore_mem>> -> memref<!tpu.dma_semaphore, #tpu.memory_space<semaphore_mem>>
    %dma_start3A_121 = arith.constant 0 : i32
    %dma_start3A_122 = arith.constant 0 : i32
    %dma_start3A_123 = arith.constant 0 : i32
    %dma_start3A_124 = arith.constant 0 : i32
    %dma_start3A_125 = tpu.memref_slice %arg4[%dma_start3A_107, %dma_start3A_121, %dma_start3A_122, %dma_start3A_123, %dma_start3A_124] : memref<3x40x4x4x64xf32, #tpu.memory_space<vmem>> -> memref<1x40x4x4x64xf32, #tpu.memory_space<vmem>>
    %dma_start3A_126 = tpu.memref_squeeze %dma_start3A_125 : memref<1x40x4x4x64xf32, #tpu.memory_space<vmem>> -> memref<40x4x4x64xf32, #tpu.memory_space<vmem>>
    %dma_start3A_127 = arith.constant 0 : i32
    %dma_start3A_128 = arith.constant 0 : i32
    %dma_start3A_129 = arith.constant 0 : i32
    %dma_start3A_130 = tpu.memref_slice %arg2[%add3A_106, %dma_start3A_127, %dma_start3A_128, %dma_start3A_129] : memref<40962x4x4x64xf32, #tpu.memory_space<hbm>> -> memref<40x4x4x64xf32, #tpu.memory_space<hbm>>
    tpu.enqueue_dma source(%dma_start3A_130 : memref<40x4x4x64xf32, #tpu.memory_space<hbm>>) target(%dma_start3A_126 : memref<40x4x4x64xf32, #tpu.memory_space<vmem>>) target_semaphore(%dma_start3A_120 : memref<!tpu.dma_semaphore, #tpu.memory_space<semaphore_mem>>)
    %add3A_131 = arith.constant 40 : i32
    %add3A_132 = arith.addi %mul3A_2, %add3A_131 : i32
    %dma_wait3A_133 = arith.constant 1 : i32
    %dma_wait3A_134 = arith.constant 1 : i32
    %dma_wait3A_135 = arith.constant 0 : i32
    %dma_wait3A_136 = arith.constant 0 : i32
    %dma_wait3A_137 = arith.constant 0 : i32
    %dma_wait3A_138 = arith.constant 0 : i32
    %dma_wait3A_139 = tpu.memref_slice %arg4[%dma_wait3A_133, %dma_wait3A_135, %dma_wait3A_136, %dma_wait3A_137, %dma_wait3A_138] : memref<3x40x4x4x64xf32, #tpu.memory_space<vmem>> -> memref<1x40x4x4x64xf32, #tpu.memory_space<vmem>>
    %dma_wait3A_140 = tpu.memref_squeeze %dma_wait3A_139 : memref<1x40x4x4x64xf32, #tpu.memory_space<vmem>> -> memref<40x4x4x64xf32, #tpu.memory_space<vmem>>
    %dma_wait3A_141 = arith.constant 0 : i32
    %dma_wait3A_142 = arith.constant 0 : i32
    %dma_wait3A_143 = arith.constant 0 : i32
    %dma_wait3A_144 = tpu.memref_slice %arg2[%add3A_132, %dma_wait3A_141, %dma_wait3A_142, %dma_wait3A_143] : memref<40962x4x4x64xf32, #tpu.memory_space<hbm>> -> memref<40x4x4x64xf32, #tpu.memory_space<hbm>>
    %dma_wait3A_145 = tpu.memref_slice %arg5[%dma_wait3A_134] : memref<3x!tpu.dma_semaphore, #tpu.memory_space<semaphore_mem>> -> memref<1x!tpu.dma_semaphore, #tpu.memory_space<semaphore_mem>>
    %dma_wait3A_146 = tpu.memref_squeeze %dma_wait3A_145 : memref<1x!tpu.dma_semaphore, #tpu.memory_space<semaphore_mem>> -> memref<!tpu.dma_semaphore, #tpu.memory_space<semaphore_mem>>
    %dma_wait3A_147 = arith.constant 0 : i32
    %dma_wait3A_148 = arith.constant 0 : i32
    %dma_wait3A_149 = arith.constant 0 : i32
    %dma_wait3A_150 = arith.constant 0 : i32
    %dma_wait3A_151 = tpu.memref_slice %arg4[%dma_wait3A_133, %dma_wait3A_147, %dma_wait3A_148, %dma_wait3A_149, %dma_wait3A_150] : memref<3x40x4x4x64xf32, #tpu.memory_space<vmem>> -> memref<1x40x4x4x64xf32, #tpu.memory_space<vmem>>
    %dma_wait3A_152 = tpu.memref_squeeze %dma_wait3A_151 : memref<1x40x4x4x64xf32, #tpu.memory_space<vmem>> -> memref<40x4x4x64xf32, #tpu.memory_space<vmem>>
    %dma_wait3A_153 = arith.constant 0 : i32
    %dma_wait3A_154 = arith.constant 0 : i32
    %dma_wait3A_155 = arith.constant 0 : i32
    %dma_wait3A_156 = tpu.memref_slice %arg2[%add3A_132, %dma_wait3A_153, %dma_wait3A_154, %dma_wait3A_155] : memref<40962x4x4x64xf32, #tpu.memory_space<hbm>> -> memref<40x4x4x64xf32, #tpu.memory_space<hbm>>
    tpu.wait_dma2 semaphore(%dma_wait3A_146 : memref<!tpu.dma_semaphore, #tpu.memory_space<semaphore_mem>>) src(%dma_wait3A_156 : memref<40x4x4x64xf32, #tpu.memory_space<hbm>>) dst(%dma_wait3A_152 : memref<40x4x4x64xf32, #tpu.memory_space<vmem>>)
    %add3A_157 = arith.constant 40 : i32
    %add3A_158 = arith.addi %mul3A_2, %add3A_157 : i32
    %dma_start3A_159 = arith.constant 1 : i32
    %dma_start3A_160 = arith.constant 1 : i32
    %dma_start3A_161 = arith.constant 0 : i32
    %dma_start3A_162 = arith.constant 0 : i32
    %dma_start3A_163 = arith.constant 0 : i32
    %dma_start3A_164 = arith.constant 0 : i32
    %dma_start3A_165 = tpu.memref_slice %arg4[%dma_start3A_159, %dma_start3A_161, %dma_start3A_162, %dma_start3A_163, %dma_start3A_164] : memref<3x40x4x4x64xf32, #tpu.memory_space<vmem>> -> memref<1x40x4x4x64xf32, #tpu.memory_space<vmem>>
    %dma_start3A_166 = tpu.memref_squeeze %dma_start3A_165 : memref<1x40x4x4x64xf32, #tpu.memory_space<vmem>> -> memref<40x4x4x64xf32, #tpu.memory_space<vmem>>
    %dma_start3A_167 = arith.constant 0 : i32
    %dma_start3A_168 = arith.constant 0 : i32
    %dma_start3A_169 = arith.constant 0 : i32
    %dma_start3A_170 = tpu.memref_slice %arg3[%add3A_158, %dma_start3A_167, %dma_start3A_168, %dma_start3A_169] : memref<10242x4x4x64xf32, #tpu.memory_space<hbm>> -> memref<40x4x4x64xf32, #tpu.memory_space<hbm>>
    %dma_start3A_171 = tpu.memref_slice %arg6[%dma_start3A_160] : memref<3x!tpu.dma_semaphore, #tpu.memory_space<semaphore_mem>> -> memref<1x!tpu.dma_semaphore, #tpu.memory_space<semaphore_mem>>
    %dma_start3A_172 = tpu.memref_squeeze %dma_start3A_171 : memref<1x!tpu.dma_semaphore, #tpu.memory_space<semaphore_mem>> -> memref<!tpu.dma_semaphore, #tpu.memory_space<semaphore_mem>>
    %dma_start3A_173 = arith.constant 0 : i32
    %dma_start3A_174 = arith.constant 0 : i32
    %dma_start3A_175 = arith.constant 0 : i32
    %dma_start3A_176 = tpu.memref_slice %arg3[%add3A_158, %dma_start3A_173, %dma_start3A_174, %dma_start3A_175] : memref<10242x4x4x64xf32, #tpu.memory_space<hbm>> -> memref<40x4x4x64xf32, #tpu.memory_space<hbm>>
    %dma_start3A_177 = arith.constant 0 : i32
    %dma_start3A_178 = arith.constant 0 : i32
    %dma_start3A_179 = arith.constant 0 : i32
    %dma_start3A_180 = arith.constant 0 : i32
    %dma_start3A_181 = tpu.memref_slice %arg4[%dma_start3A_159, %dma_start3A_177, %dma_start3A_178, %dma_start3A_179, %dma_start3A_180] : memref<3x40x4x4x64xf32, #tpu.memory_space<vmem>> -> memref<1x40x4x4x64xf32, #tpu.memory_space<vmem>>
    %dma_start3A_182 = tpu.memref_squeeze %dma_start3A_181 : memref<1x40x4x4x64xf32, #tpu.memory_space<vmem>> -> memref<40x4x4x64xf32, #tpu.memory_space<vmem>>
    tpu.enqueue_dma source(%dma_start3A_182 : memref<40x4x4x64xf32, #tpu.memory_space<vmem>>) target(%dma_start3A_176 : memref<40x4x4x64xf32, #tpu.memory_space<hbm>>) target_semaphore(%dma_start3A_172 : memref<!tpu.dma_semaphore, #tpu.memory_space<semaphore_mem>>)
    %add3A_183 = arith.constant 0 : i32
    %add3A_184 = arith.addi %mul3A_2, %add3A_183 : i32
    %dma_wait3A_185 = arith.constant 0 : i32
    %dma_wait3A_186 = arith.constant 0 : i32
    %dma_wait3A_187 = arith.constant 0 : i32
    %dma_wait3A_188 = arith.constant 0 : i32
    %dma_wait3A_189 = arith.constant 0 : i32
    %dma_wait3A_190 = arith.constant 0 : i32
    %dma_wait3A_191 = tpu.memref_slice %arg4[%dma_wait3A_185, %dma_wait3A_187, %dma_wait3A_188, %dma_wait3A_189, %dma_wait3A_190] : memref<3x40x4x4x64xf32, #tpu.memory_space<vmem>> -> memref<1x40x4x4x64xf32, #tpu.memory_space<vmem>>
    %dma_wait3A_192 = tpu.memref_squeeze %dma_wait3A_191 : memref<1x40x4x4x64xf32, #tpu.memory_space<vmem>> -> memref<40x4x4x64xf32, #tpu.memory_space<vmem>>
    %dma_wait3A_193 = arith.constant 0 : i32
    %dma_wait3A_194 = arith.constant 0 : i32
    %dma_wait3A_195 = arith.constant 0 : i32
    %dma_wait3A_196 = tpu.memref_slice %arg3[%add3A_184, %dma_wait3A_193, %dma_wait3A_194, %dma_wait3A_195] : memref<10242x4x4x64xf32, #tpu.memory_space<hbm>> -> memref<40x4x4x64xf32, #tpu.memory_space<hbm>>
    %dma_wait3A_197 = tpu.memref_slice %arg6[%dma_wait3A_186] : memref<3x!tpu.dma_semaphore, #tpu.memory_space<semaphore_mem>> -> memref<1x!tpu.dma_semaphore, #tpu.memory_space<semaphore_mem>>
    %dma_wait3A_198 = tpu.memref_squeeze %dma_wait3A_197 : memref<1x!tpu.dma_semaphore, #tpu.memory_space<semaphore_mem>> -> memref<!tpu.dma_semaphore, #tpu.memory_space<semaphore_mem>>
    %dma_wait3A_199 = arith.constant 0 : i32
    %dma_wait3A_200 = arith.constant 0 : i32
    %dma_wait3A_201 = arith.constant 0 : i32
    %dma_wait3A_202 = tpu.memref_slice %arg3[%add3A_184, %dma_wait3A_199, %dma_wait3A_200, %dma_wait3A_201] : memref<10242x4x4x64xf32, #tpu.memory_space<hbm>> -> memref<40x4x4x64xf32, #tpu.memory_space<hbm>>
    %dma_wait3A_203 = arith.constant 0 : i32
    %dma_wait3A_204 = arith.constant 0 : i32
    %dma_wait3A_205 = arith.constant 0 : i32
    %dma_wait3A_206 = arith.constant 0 : i32
    %dma_wait3A_207 = tpu.memref_slice %arg4[%dma_wait3A_185, %dma_wait3A_203, %dma_wait3A_204, %dma_wait3A_205, %dma_wait3A_206] : memref<3x40x4x4x64xf32, #tpu.memory_space<vmem>> -> memref<1x40x4x4x64xf32, #tpu.memory_space<vmem>>
    %dma_wait3A_208 = tpu.memref_squeeze %dma_wait3A_207 : memref<1x40x4x4x64xf32, #tpu.memory_space<vmem>> -> memref<40x4x4x64xf32, #tpu.memory_space<vmem>>
    tpu.wait_dma2 semaphore(%dma_wait3A_198 : memref<!tpu.dma_semaphore, #tpu.memory_space<semaphore_mem>>) src(%dma_wait3A_208 : memref<40x4x4x64xf32, #tpu.memory_space<vmem>>) dst(%dma_wait3A_202 : memref<40x4x4x64xf32, #tpu.memory_space<hbm>>)
    %add3A_209 = arith.constant 120 : i32
    %add3A_210 = arith.addi %mul3A_2, %add3A_209 : i32
    %dma_start3A_211 = arith.constant 0 : i32
    %dma_start3A_212 = arith.constant 0 : i32
    %dma_start3A_213 = arith.constant 0 : i32
    %dma_start3A_214 = arith.constant 0 : i32
    %dma_start3A_215 = arith.constant 0 : i32
    %dma_start3A_216 = arith.constant 0 : i32
    %dma_start3A_217 = tpu.memref_slice %arg4[%dma_start3A_211, %dma_start3A_213, %dma_start3A_214, %dma_start3A_215, %dma_start3A_216] : memref<3x40x4x4x64xf32, #tpu.memory_space<vmem>> -> memref<1x40x4x4x64xf32, #tpu.memory_space<vmem>>
    %dma_start3A_218 = tpu.memref_squeeze %dma_start3A_217 : memref<1x40x4x4x64xf32, #tpu.memory_space<vmem>> -> memref<40x4x4x64xf32, #tpu.memory_space<vmem>>
    %dma_start3A_219 = arith.constant 0 : i32
    %dma_start3A_220 = arith.constant 0 : i32
    %dma_start3A_221 = arith.constant 0 : i32
    %dma_start3A_222 = tpu.memref_slice %arg2[%add3A_210, %dma_start3A_219, %dma_start3A_220, %dma_start3A_221] : memref<40962x4x4x64xf32, #tpu.memory_space<hbm>> -> memref<40x4x4x64xf32, #tpu.memory_space<hbm>>
    %dma_start3A_223 = tpu.memref_slice %arg5[%dma_start3A_212] : memref<3x!tpu.dma_semaphore, #tpu.memory_space<semaphore_mem>> -> memref<1x!tpu.dma_semaphore, #tpu.memory_space<semaphore_mem>>
    %dma_start3A_224 = tpu.memref_squeeze %dma_start3A_223 : memref<1x!tpu.dma_semaphore, #tpu.memory_space<semaphore_mem>> -> memref<!tpu.dma_semaphore, #tpu.memory_space<semaphore_mem>>
    %dma_start3A_225 = arith.constant 0 : i32
    %dma_start3A_226 = arith.constant 0 : i32
    %dma_start3A_227 = arith.constant 0 : i32
    %dma_start3A_228 = arith.constant 0 : i32
    %dma_start3A_229 = tpu.memref_slice %arg4[%dma_start3A_211, %dma_start3A_225, %dma_start3A_226, %dma_start3A_227, %dma_start3A_228] : memref<3x40x4x4x64xf32, #tpu.memory_space<vmem>> -> memref<1x40x4x4x64xf32, #tpu.memory_space<vmem>>
    %dma_start3A_230 = tpu.memref_squeeze %dma_start3A_229 : memref<1x40x4x4x64xf32, #tpu.memory_space<vmem>> -> memref<40x4x4x64xf32, #tpu.memory_space<vmem>>
    %dma_start3A_231 = arith.constant 0 : i32
    %dma_start3A_232 = arith.constant 0 : i32
    %dma_start3A_233 = arith.constant 0 : i32
    %dma_start3A_234 = tpu.memref_slice %arg2[%add3A_210, %dma_start3A_231, %dma_start3A_232, %dma_start3A_233] : memref<40962x4x4x64xf32, #tpu.memory_space<hbm>> -> memref<40x4x4x64xf32, #tpu.memory_space<hbm>>
    tpu.enqueue_dma source(%dma_start3A_234 : memref<40x4x4x64xf32, #tpu.memory_space<hbm>>) target(%dma_start3A_230 : memref<40x4x4x64xf32, #tpu.memory_space<vmem>>) target_semaphore(%dma_start3A_224 : memref<!tpu.dma_semaphore, #tpu.memory_space<semaphore_mem>>)
    %add3A_235 = arith.constant 80 : i32
    %add3A_236 = arith.addi %mul3A_2, %add3A_235 : i32
    %dma_wait3A_237 = arith.constant 2 : i32
    %dma_wait3A_238 = arith.constant 2 : i32
    %dma_wait3A_239 = arith.constant 0 : i32
    %dma_wait3A_240 = arith.constant 0 : i32
    %dma_wait3A_241 = arith.constant 0 : i32
    %dma_wait3A_242 = arith.constant 0 : i32
    %dma_wait3A_243 = tpu.memref_slice %arg4[%dma_wait3A_237, %dma_wait3A_239, %dma_wait3A_240, %dma_wait3A_241, %dma_wait3A_242] : memref<3x40x4x4x64xf32, #tpu.memory_space<vmem>> -> memref<1x40x4x4x64xf32, #tpu.memory_space<vmem>>
    %dma_wait3A_244 = tpu.memref_squeeze %dma_wait3A_243 : memref<1x40x4x4x64xf32, #tpu.memory_space<vmem>> -> memref<40x4x4x64xf32, #tpu.memory_space<vmem>>
    %dma_wait3A_245 = arith.constant 0 : i32
    %dma_wait3A_246 = arith.constant 0 : i32
    %dma_wait3A_247 = arith.constant 0 : i32
    %dma_wait3A_248 = tpu.memref_slice %arg2[%add3A_236, %dma_wait3A_245, %dma_wait3A_246, %dma_wait3A_247] : memref<40962x4x4x64xf32, #tpu.memory_space<hbm>> -> memref<40x4x4x64xf32, #tpu.memory_space<hbm>>
    %dma_wait3A_249 = tpu.memref_slice %arg5[%dma_wait3A_238] : memref<3x!tpu.dma_semaphore, #tpu.memory_space<semaphore_mem>> -> memref<1x!tpu.dma_semaphore, #tpu.memory_space<semaphore_mem>>
    %dma_wait3A_250 = tpu.memref_squeeze %dma_wait3A_249 : memref<1x!tpu.dma_semaphore, #tpu.memory_space<semaphore_mem>> -> memref<!tpu.dma_semaphore, #tpu.memory_space<semaphore_mem>>
    %dma_wait3A_251 = arith.constant 0 : i32
    %dma_wait3A_252 = arith.constant 0 : i32
    %dma_wait3A_253 = arith.constant 0 : i32
    %dma_wait3A_254 = arith.constant 0 : i32
    %dma_wait3A_255 = tpu.memref_slice %arg4[%dma_wait3A_237, %dma_wait3A_251, %dma_wait3A_252, %dma_wait3A_253, %dma_wait3A_254] : memref<3x40x4x4x64xf32, #tpu.memory_space<vmem>> -> memref<1x40x4x4x64xf32, #tpu.memory_space<vmem>>
    %dma_wait3A_256 = tpu.memref_squeeze %dma_wait3A_255 : memref<1x40x4x4x64xf32, #tpu.memory_space<vmem>> -> memref<40x4x4x64xf32, #tpu.memory_space<vmem>>
    %dma_wait3A_257 = arith.constant 0 : i32
    %dma_wait3A_258 = arith.constant 0 : i32
    %dma_wait3A_259 = arith.constant 0 : i32
    %dma_wait3A_260 = tpu.memref_slice %arg2[%add3A_236, %dma_wait3A_257, %dma_wait3A_258, %dma_wait3A_259] : memref<40962x4x4x64xf32, #tpu.memory_space<hbm>> -> memref<40x4x4x64xf32, #tpu.memory_space<hbm>>
    tpu.wait_dma2 semaphore(%dma_wait3A_250 : memref<!tpu.dma_semaphore, #tpu.memory_space<semaphore_mem>>) src(%dma_wait3A_260 : memref<40x4x4x64xf32, #tpu.memory_space<hbm>>) dst(%dma_wait3A_256 : memref<40x4x4x64xf32, #tpu.memory_space<vmem>>)
    %add3A_261 = arith.constant 80 : i32
    %add3A_262 = arith.addi %mul3A_2, %add3A_261 : i32
    %dma_start3A_263 = arith.constant 2 : i32
    %dma_start3A_264 = arith.constant 2 : i32
    %dma_start3A_265 = arith.constant 0 : i32
    %dma_start3A_266 = arith.constant 0 : i32
    %dma_start3A_267 = arith.constant 0 : i32
    %dma_start3A_268 = arith.constant 0 : i32
    %dma_start3A_269 = tpu.memref_slice %arg4[%dma_start3A_263, %dma_start3A_265, %dma_start3A_266, %dma_start3A_267, %dma_start3A_268] : memref<3x40x4x4x64xf32, #tpu.memory_space<vmem>> -> memref<1x40x4x4x64xf32, #tpu.memory_space<vmem>>
    %dma_start3A_270 = tpu.memref_squeeze %dma_start3A_269 : memref<1x40x4x4x64xf32, #tpu.memory_space<vmem>> -> memref<40x4x4x64xf32, #tpu.memory_space<vmem>>
    %dma_start3A_271 = arith.constant 0 : i32
    %dma_start3A_272 = arith.constant 0 : i32
    %dma_start3A_273 = arith.constant 0 : i32
    %dma_start3A_274 = tpu.memref_slice %arg3[%add3A_262, %dma_start3A_271, %dma_start3A_272, %dma_start3A_273] : memref<10242x4x4x64xf32, #tpu.memory_space<hbm>> -> memref<40x4x4x64xf32, #tpu.memory_space<hbm>>
    %dma_start3A_275 = tpu.memref_slice %arg6[%dma_start3A_264] : memref<3x!tpu.dma_semaphore, #tpu.memory_space<semaphore_mem>> -> memref<1x!tpu.dma_semaphore, #tpu.memory_space<semaphore_mem>>
    %dma_start3A_276 = tpu.memref_squeeze %dma_start3A_275 : memref<1x!tpu.dma_semaphore, #tpu.memory_space<semaphore_mem>> -> memref<!tpu.dma_semaphore, #tpu.memory_space<semaphore_mem>>
    %dma_start3A_277 = arith.constant 0 : i32
    %dma_start3A_278 = arith.constant 0 : i32
    %dma_start3A_279 = arith.constant 0 : i32
    %dma_start3A_280 = tpu.memref_slice %arg3[%add3A_262, %dma_start3A_277, %dma_start3A_278, %dma_start3A_279] : memref<10242x4x4x64xf32, #tpu.memory_space<hbm>> -> memref<40x4x4x64xf32, #tpu.memory_space<hbm>>
    %dma_start3A_281 = arith.constant 0 : i32
    %dma_start3A_282 = arith.constant 0 : i32
    %dma_start3A_283 = arith.constant 0 : i32
    %dma_start3A_284 = arith.constant 0 : i32
    %dma_start3A_285 = tpu.memref_slice %arg4[%dma_start3A_263, %dma_start3A_281, %dma_start3A_282, %dma_start3A_283, %dma_start3A_284] : memref<3x40x4x4x64xf32, #tpu.memory_space<vmem>> -> memref<1x40x4x4x64xf32, #tpu.memory_space<vmem>>
    %dma_start3A_286 = tpu.memref_squeeze %dma_start3A_285 : memref<1x40x4x4x64xf32, #tpu.memory_space<vmem>> -> memref<40x4x4x64xf32, #tpu.memory_space<vmem>>
    tpu.enqueue_dma source(%dma_start3A_286 : memref<40x4x4x64xf32, #tpu.memory_space<vmem>>) target(%dma_start3A_280 : memref<40x4x4x64xf32, #tpu.memory_space<hbm>>) target_semaphore(%dma_start3A_276 : memref<!tpu.dma_semaphore, #tpu.memory_space<semaphore_mem>>)
    %add3A_287 = arith.constant 40 : i32
    %add3A_288 = arith.addi %mul3A_2, %add3A_287 : i32
    %dma_wait3A_289 = arith.constant 1 : i32
    %dma_wait3A_290 = arith.constant 1 : i32
    %dma_wait3A_291 = arith.constant 0 : i32
    %dma_wait3A_292 = arith.constant 0 : i32
    %dma_wait3A_293 = arith.constant 0 : i32
    %dma_wait3A_294 = arith.constant 0 : i32
    %dma_wait3A_295 = tpu.memref_slice %arg4[%dma_wait3A_289, %dma_wait3A_291, %dma_wait3A_292, %dma_wait3A_293, %dma_wait3A_294] : memref<3x40x4x4x64xf32, #tpu.memory_space<vmem>> -> memref<1x40x4x4x64xf32, #tpu.memory_space<vmem>>
    %dma_wait3A_296 = tpu.memref_squeeze %dma_wait3A_295 : memref<1x40x4x4x64xf32, #tpu.memory_space<vmem>> -> memref<40x4x4x64xf32, #tpu.memory_space<vmem>>
    %dma_wait3A_297 = arith.constant 0 : i32
    %dma_wait3A_298 = arith.constant 0 : i32
    %dma_wait3A_299 = arith.constant 0 : i32
    %dma_wait3A_300 = tpu.memref_slice %arg3[%add3A_288, %dma_wait3A_297, %dma_wait3A_298, %dma_wait3A_299] : memref<10242x4x4x64xf32, #tpu.memory_space<hbm>> -> memref<40x4x4x64xf32, #tpu.memory_space<hbm>>
    %dma_wait3A_301 = tpu.memref_slice %arg6[%dma_wait3A_290] : memref<3x!tpu.dma_semaphore, #tpu.memory_space<semaphore_mem>> -> memref<1x!tpu.dma_semaphore, #tpu.memory_space<semaphore_mem>>
    %dma_wait3A_302 = tpu.memref_squeeze %dma_wait3A_301 : memref<1x!tpu.dma_semaphore, #tpu.memory_space<semaphore_mem>> -> memref<!tpu.dma_semaphore, #tpu.memory_space<semaphore_mem>>
    %dma_wait3A_303 = arith.constant 0 : i32
    %dma_wait3A_304 = arith.constant 0 : i32
    %dma_wait3A_305 = arith.constant 0 : i32
    %dma_wait3A_306 = tpu.memref_slice %arg3[%add3A_288, %dma_wait3A_303, %dma_wait3A_304, %dma_wait3A_305] : memref<10242x4x4x64xf32, #tpu.memory_space<hbm>> -> memref<40x4x4x64xf32, #tpu.memory_space<hbm>>
    %dma_wait3A_307 = arith.constant 0 : i32
    %dma_wait3A_308 = arith.constant 0 : i32
    %dma_wait3A_309 = arith.constant 0 : i32
    %dma_wait3A_310 = arith.constant 0 : i32
    %dma_wait3A_311 = tpu.memref_slice %arg4[%dma_wait3A_289, %dma_wait3A_307, %dma_wait3A_308, %dma_wait3A_309, %dma_wait3A_310] : memref<3x40x4x4x64xf32, #tpu.memory_space<vmem>> -> memref<1x40x4x4x64xf32, #tpu.memory_space<vmem>>
    %dma_wait3A_312 = tpu.memref_squeeze %dma_wait3A_311 : memref<1x40x4x4x64xf32, #tpu.memory_space<vmem>> -> memref<40x4x4x64xf32, #tpu.memory_space<vmem>>
    tpu.wait_dma2 semaphore(%dma_wait3A_302 : memref<!tpu.dma_semaphore, #tpu.memory_space<semaphore_mem>>) src(%dma_wait3A_312 : memref<40x4x4x64xf32, #tpu.memory_space<vmem>>) dst(%dma_wait3A_306 : memref<40x4x4x64xf32, #tpu.memory_space<hbm>>)
    %add3A_313 = arith.constant 160 : i32
    %add3A_314 = arith.addi %mul3A_2, %add3A_313 : i32
    %dma_start3A_315 = arith.constant 1 : i32
    %dma_start3A_316 = arith.constant 1 : i32
    %dma_start3A_317 = arith.constant 0 : i32
    %dma_start3A_318 = arith.constant 0 : i32
    %dma_start3A_319 = arith.constant 0 : i32
    %dma_start3A_320 = arith.constant 0 : i32
    %dma_start3A_321 = tpu.memref_slice %arg4[%dma_start3A_315, %dma_start3A_317, %dma_start3A_318, %dma_start3A_319, %dma_start3A_320] : memref<3x40x4x4x64xf32, #tpu.memory_space<vmem>> -> memref<1x40x4x4x64xf32, #tpu.memory_space<vmem>>
    %dma_start3A_322 = tpu.memref_squeeze %dma_start3A_321 : memref<1x40x4x4x64xf32, #tpu.memory_space<vmem>> -> memref<40x4x4x64xf32, #tpu.memory_space<vmem>>
    %dma_start3A_323 = arith.constant 0 : i32
    %dma_start3A_324 = arith.constant 0 : i32
    %dma_start3A_325 = arith.constant 0 : i32
    %dma_start3A_326 = tpu.memref_slice %arg2[%add3A_314, %dma_start3A_323, %dma_start3A_324, %dma_start3A_325] : memref<40962x4x4x64xf32, #tpu.memory_space<hbm>> -> memref<40x4x4x64xf32, #tpu.memory_space<hbm>>
    %dma_start3A_327 = tpu.memref_slice %arg5[%dma_start3A_316] : memref<3x!tpu.dma_semaphore, #tpu.memory_space<semaphore_mem>> -> memref<1x!tpu.dma_semaphore, #tpu.memory_space<semaphore_mem>>
    %dma_start3A_328 = tpu.memref_squeeze %dma_start3A_327 : memref<1x!tpu.dma_semaphore, #tpu.memory_space<semaphore_mem>> -> memref<!tpu.dma_semaphore, #tpu.memory_space<semaphore_mem>>
    %dma_start3A_329 = arith.constant 0 : i32
    %dma_start3A_330 = arith.constant 0 : i32
    %dma_start3A_331 = arith.constant 0 : i32
    %dma_start3A_332 = arith.constant 0 : i32
    %dma_start3A_333 = tpu.memref_slice %arg4[%dma_start3A_315, %dma_start3A_329, %dma_start3A_330, %dma_start3A_331, %dma_start3A_332] : memref<3x40x4x4x64xf32, #tpu.memory_space<vmem>> -> memref<1x40x4x4x64xf32, #tpu.memory_space<vmem>>
    %dma_start3A_334 = tpu.memref_squeeze %dma_start3A_333 : memref<1x40x4x4x64xf32, #tpu.memory_space<vmem>> -> memref<40x4x4x64xf32, #tpu.memory_space<vmem>>
    %dma_start3A_335 = arith.constant 0 : i32
    %dma_start3A_336 = arith.constant 0 : i32
    %dma_start3A_337 = arith.constant 0 : i32
    %dma_start3A_338 = tpu.memref_slice %arg2[%add3A_314, %dma_start3A_335, %dma_start3A_336, %dma_start3A_337] : memref<40962x4x4x64xf32, #tpu.memory_space<hbm>> -> memref<40x4x4x64xf32, #tpu.memory_space<hbm>>
    tpu.enqueue_dma source(%dma_start3A_338 : memref<40x4x4x64xf32, #tpu.memory_space<hbm>>) target(%dma_start3A_334 : memref<40x4x4x64xf32, #tpu.memory_space<vmem>>) target_semaphore(%dma_start3A_328 : memref<!tpu.dma_semaphore, #tpu.memory_space<semaphore_mem>>)
    %add3A_339 = arith.constant 120 : i32
    %add3A_340 = arith.addi %mul3A_2, %add3A_339 : i32
    %dma_wait3A_341 = arith.constant 0 : i32
    %dma_wait3A_342 = arith.constant 0 : i32
    %dma_wait3A_343 = arith.constant 0 : i32
    %dma_wait3A_344 = arith.constant 0 : i32
    %dma_wait3A_345 = arith.constant 0 : i32
    %dma_wait3A_346 = arith.constant 0 : i32
    %dma_wait3A_347 = tpu.memref_slice %arg4[%dma_wait3A_341, %dma_wait3A_343, %dma_wait3A_344, %dma_wait3A_345, %dma_wait3A_346] : memref<3x40x4x4x64xf32, #tpu.memory_space<vmem>> -> memref<1x40x4x4x64xf32, #tpu.memory_space<vmem>>
    %dma_wait3A_348 = tpu.memref_squeeze %dma_wait3A_347 : memref<1x40x4x4x64xf32, #tpu.memory_space<vmem>> -> memref<40x4x4x64xf32, #tpu.memory_space<vmem>>
    %dma_wait3A_349 = arith.constant 0 : i32
    %dma_wait3A_350 = arith.constant 0 : i32
    %dma_wait3A_351 = arith.constant 0 : i32
    %dma_wait3A_352 = tpu.memref_slice %arg2[%add3A_340, %dma_wait3A_349, %dma_wait3A_350, %dma_wait3A_351] : memref<40962x4x4x64xf32, #tpu.memory_space<hbm>> -> memref<40x4x4x64xf32, #tpu.memory_space<hbm>>
    %dma_wait3A_353 = tpu.memref_slice %arg5[%dma_wait3A_342] : memref<3x!tpu.dma_semaphore, #tpu.memory_space<semaphore_mem>> -> memref<1x!tpu.dma_semaphore, #tpu.memory_space<semaphore_mem>>
    %dma_wait3A_354 = tpu.memref_squeeze %dma_wait3A_353 : memref<1x!tpu.dma_semaphore, #tpu.memory_space<semaphore_mem>> -> memref<!tpu.dma_semaphore, #tpu.memory_space<semaphore_mem>>
    %dma_wait3A_355 = arith.constant 0 : i32
    %dma_wait3A_356 = arith.constant 0 : i32
    %dma_wait3A_357 = arith.constant 0 : i32
    %dma_wait3A_358 = arith.constant 0 : i32
    %dma_wait3A_359 = tpu.memref_slice %arg4[%dma_wait3A_341, %dma_wait3A_355, %dma_wait3A_356, %dma_wait3A_357, %dma_wait3A_358] : memref<3x40x4x4x64xf32, #tpu.memory_space<vmem>> -> memref<1x40x4x4x64xf32, #tpu.memory_space<vmem>>
    %dma_wait3A_360 = tpu.memref_squeeze %dma_wait3A_359 : memref<1x40x4x4x64xf32, #tpu.memory_space<vmem>> -> memref<40x4x4x64xf32, #tpu.memory_space<vmem>>
    %dma_wait3A_361 = arith.constant 0 : i32
    %dma_wait3A_362 = arith.constant 0 : i32
    %dma_wait3A_363 = arith.constant 0 : i32
    %dma_wait3A_364 = tpu.memref_slice %arg2[%add3A_340, %dma_wait3A_361, %dma_wait3A_362, %dma_wait3A_363] : memref<40962x4x4x64xf32, #tpu.memory_space<hbm>> -> memref<40x4x4x64xf32, #tpu.memory_space<hbm>>
    tpu.wait_dma2 semaphore(%dma_wait3A_354 : memref<!tpu.dma_semaphore, #tpu.memory_space<semaphore_mem>>) src(%dma_wait3A_364 : memref<40x4x4x64xf32, #tpu.memory_space<hbm>>) dst(%dma_wait3A_360 : memref<40x4x4x64xf32, #tpu.memory_space<vmem>>)
    %add3A_365 = arith.constant 120 : i32
    %add3A_366 = arith.addi %mul3A_2, %add3A_365 : i32
    %dma_start3A_367 = arith.constant 0 : i32
    %dma_start3A_368 = arith.constant 0 : i32
    %dma_start3A_369 = arith.constant 0 : i32
    %dma_start3A_370 = arith.constant 0 : i32
    %dma_start3A_371 = arith.constant 0 : i32
    %dma_start3A_372 = arith.constant 0 : i32
    %dma_start3A_373 = tpu.memref_slice %arg4[%dma_start3A_367, %dma_start3A_369, %dma_start3A_370, %dma_start3A_371, %dma_start3A_372] : memref<3x40x4x4x64xf32, #tpu.memory_space<vmem>> -> memref<1x40x4x4x64xf32, #tpu.memory_space<vmem>>
    %dma_start3A_374 = tpu.memref_squeeze %dma_start3A_373 : memref<1x40x4x4x64xf32, #tpu.memory_space<vmem>> -> memref<40x4x4x64xf32, #tpu.memory_space<vmem>>
    %dma_start3A_375 = arith.constant 0 : i32
    %dma_start3A_376 = arith.constant 0 : i32
    %dma_start3A_377 = arith.constant 0 : i32
    %dma_start3A_378 = tpu.memref_slice %arg3[%add3A_366, %dma_start3A_375, %dma_start3A_376, %dma_start3A_377] : memref<10242x4x4x64xf32, #tpu.memory_space<hbm>> -> memref<40x4x4x64xf32, #tpu.memory_space<hbm>>
    %dma_start3A_379 = tpu.memref_slice %arg6[%dma_start3A_368] : memref<3x!tpu.dma_semaphore, #tpu.memory_space<semaphore_mem>> -> memref<1x!tpu.dma_semaphore, #tpu.memory_space<semaphore_mem>>
    %dma_start3A_380 = tpu.memref_squeeze %dma_start3A_379 : memref<1x!tpu.dma_semaphore, #tpu.memory_space<semaphore_mem>> -> memref<!tpu.dma_semaphore, #tpu.memory_space<semaphore_mem>>
    %dma_start3A_381 = arith.constant 0 : i32
    %dma_start3A_382 = arith.constant 0 : i32
    %dma_start3A_383 = arith.constant 0 : i32
    %dma_start3A_384 = tpu.memref_slice %arg3[%add3A_366, %dma_start3A_381, %dma_start3A_382, %dma_start3A_383] : memref<10242x4x4x64xf32, #tpu.memory_space<hbm>> -> memref<40x4x4x64xf32, #tpu.memory_space<hbm>>
    %dma_start3A_385 = arith.constant 0 : i32
    %dma_start3A_386 = arith.constant 0 : i32
    %dma_start3A_387 = arith.constant 0 : i32
    %dma_start3A_388 = arith.constant 0 : i32
    %dma_start3A_389 = tpu.memref_slice %arg4[%dma_start3A_367, %dma_start3A_385, %dma_start3A_386, %dma_start3A_387, %dma_start3A_388] : memref<3x40x4x4x64xf32, #tpu.memory_space<vmem>> -> memref<1x40x4x4x64xf32, #tpu.memory_space<vmem>>
    %dma_start3A_390 = tpu.memref_squeeze %dma_start3A_389 : memref<1x40x4x4x64xf32, #tpu.memory_space<vmem>> -> memref<40x4x4x64xf32, #tpu.memory_space<vmem>>
    tpu.enqueue_dma source(%dma_start3A_390 : memref<40x4x4x64xf32, #tpu.memory_space<vmem>>) target(%dma_start3A_384 : memref<40x4x4x64xf32, #tpu.memory_space<hbm>>) target_semaphore(%dma_start3A_380 : memref<!tpu.dma_semaphore, #tpu.memory_space<semaphore_mem>>)
    %add3A_391 = arith.constant 80 : i32
    %add3A_392 = arith.addi %mul3A_2, %add3A_391 : i32
    %dma_wait3A_393 = arith.constant 2 : i32
    %dma_wait3A_394 = arith.constant 2 : i32
    %dma_wait3A_395 = arith.constant 0 : i32
    %dma_wait3A_396 = arith.constant 0 : i32
    %dma_wait3A_397 = arith.constant 0 : i32
    %dma_wait3A_398 = arith.constant 0 : i32
    %dma_wait3A_399 = tpu.memref_slice %arg4[%dma_wait3A_393, %dma_wait3A_395, %dma_wait3A_396, %dma_wait3A_397, %dma_wait3A_398] : memref<3x40x4x4x64xf32, #tpu.memory_space<vmem>> -> memref<1x40x4x4x64xf32, #tpu.memory_space<vmem>>
    %dma_wait3A_400 = tpu.memref_squeeze %dma_wait3A_399 : memref<1x40x4x4x64xf32, #tpu.memory_space<vmem>> -> memref<40x4x4x64xf32, #tpu.memory_space<vmem>>
    %dma_wait3A_401 = arith.constant 0 : i32
    %dma_wait3A_402 = arith.constant 0 : i32
    %dma_wait3A_403 = arith.constant 0 : i32
    %dma_wait3A_404 = tpu.memref_slice %arg3[%add3A_392, %dma_wait3A_401, %dma_wait3A_402, %dma_wait3A_403] : memref<10242x4x4x64xf32, #tpu.memory_space<hbm>> -> memref<40x4x4x64xf32, #tpu.memory_space<hbm>>
    %dma_wait3A_405 = tpu.memref_slice %arg6[%dma_wait3A_394] : memref<3x!tpu.dma_semaphore, #tpu.memory_space<semaphore_mem>> -> memref<1x!tpu.dma_semaphore, #tpu.memory_space<semaphore_mem>>
    %dma_wait3A_406 = tpu.memref_squeeze %dma_wait3A_405 : memref<1x!tpu.dma_semaphore, #tpu.memory_space<semaphore_mem>> -> memref<!tpu.dma_semaphore, #tpu.memory_space<semaphore_mem>>
    %dma_wait3A_407 = arith.constant 0 : i32
    %dma_wait3A_408 = arith.constant 0 : i32
    %dma_wait3A_409 = arith.constant 0 : i32
    %dma_wait3A_410 = tpu.memref_slice %arg3[%add3A_392, %dma_wait3A_407, %dma_wait3A_408, %dma_wait3A_409] : memref<10242x4x4x64xf32, #tpu.memory_space<hbm>> -> memref<40x4x4x64xf32, #tpu.memory_space<hbm>>
    %dma_wait3A_411 = arith.constant 0 : i32
    %dma_wait3A_412 = arith.constant 0 : i32
    %dma_wait3A_413 = arith.constant 0 : i32
    %dma_wait3A_414 = arith.constant 0 : i32
    %dma_wait3A_415 = tpu.memref_slice %arg4[%dma_wait3A_393, %dma_wait3A_411, %dma_wait3A_412, %dma_wait3A_413, %dma_wait3A_414] : memref<3x40x4x4x64xf32, #tpu.memory_space<vmem>> -> memref<1x40x4x4x64xf32, #tpu.memory_space<vmem>>
    %dma_wait3A_416 = tpu.memref_squeeze %dma_wait3A_415 : memref<1x40x4x4x64xf32, #tpu.memory_space<vmem>> -> memref<40x4x4x64xf32, #tpu.memory_space<vmem>>
    tpu.wait_dma2 semaphore(%dma_wait3A_406 : memref<!tpu.dma_semaphore, #tpu.memory_space<semaphore_mem>>) src(%dma_wait3A_416 : memref<40x4x4x64xf32, #tpu.memory_space<vmem>>) dst(%dma_wait3A_410 : memref<40x4x4x64xf32, #tpu.memory_space<hbm>>)
    %add3A_417 = arith.constant 200 : i32
    %add3A_418 = arith.addi %mul3A_2, %add3A_417 : i32
    %dma_start3A_419 = arith.constant 2 : i32
    %dma_start3A_420 = arith.constant 2 : i32
    %dma_start3A_421 = arith.constant 0 : i32
    %dma_start3A_422 = arith.constant 0 : i32
    %dma_start3A_423 = arith.constant 0 : i32
    %dma_start3A_424 = arith.constant 0 : i32
    %dma_start3A_425 = tpu.memref_slice %arg4[%dma_start3A_419, %dma_start3A_421, %dma_start3A_422, %dma_start3A_423, %dma_start3A_424] : memref<3x40x4x4x64xf32, #tpu.memory_space<vmem>> -> memref<1x40x4x4x64xf32, #tpu.memory_space<vmem>>
    %dma_start3A_426 = tpu.memref_squeeze %dma_start3A_425 : memref<1x40x4x4x64xf32, #tpu.memory_space<vmem>> -> memref<40x4x4x64xf32, #tpu.memory_space<vmem>>
    %dma_start3A_427 = arith.constant 0 : i32
    %dma_start3A_428 = arith.constant 0 : i32
    %dma_start3A_429 = arith.constant 0 : i32
    %dma_start3A_430 = tpu.memref_slice %arg2[%add3A_418, %dma_start3A_427, %dma_start3A_428, %dma_start3A_429] : memref<40962x4x4x64xf32, #tpu.memory_space<hbm>> -> memref<40x4x4x64xf32, #tpu.memory_space<hbm>>
    %dma_start3A_431 = tpu.memref_slice %arg5[%dma_start3A_420] : memref<3x!tpu.dma_semaphore, #tpu.memory_space<semaphore_mem>> -> memref<1x!tpu.dma_semaphore, #tpu.memory_space<semaphore_mem>>
    %dma_start3A_432 = tpu.memref_squeeze %dma_start3A_431 : memref<1x!tpu.dma_semaphore, #tpu.memory_space<semaphore_mem>> -> memref<!tpu.dma_semaphore, #tpu.memory_space<semaphore_mem>>
    %dma_start3A_433 = arith.constant 0 : i32
    %dma_start3A_434 = arith.constant 0 : i32
    %dma_start3A_435 = arith.constant 0 : i32
    %dma_start3A_436 = arith.constant 0 : i32
    %dma_start3A_437 = tpu.memref_slice %arg4[%dma_start3A_419, %dma_start3A_433, %dma_start3A_434, %dma_start3A_435, %dma_start3A_436] : memref<3x40x4x4x64xf32, #tpu.memory_space<vmem>> -> memref<1x40x4x4x64xf32, #tpu.memory_space<vmem>>
    %dma_start3A_438 = tpu.memref_squeeze %dma_start3A_437 : memref<1x40x4x4x64xf32, #tpu.memory_space<vmem>> -> memref<40x4x4x64xf32, #tpu.memory_space<vmem>>
    %dma_start3A_439 = arith.constant 0 : i32
    %dma_start3A_440 = arith.constant 0 : i32
    %dma_start3A_441 = arith.constant 0 : i32
    %dma_start3A_442 = tpu.memref_slice %arg2[%add3A_418, %dma_start3A_439, %dma_start3A_440, %dma_start3A_441] : memref<40962x4x4x64xf32, #tpu.memory_space<hbm>> -> memref<40x4x4x64xf32, #tpu.memory_space<hbm>>
    tpu.enqueue_dma source(%dma_start3A_442 : memref<40x4x4x64xf32, #tpu.memory_space<hbm>>) target(%dma_start3A_438 : memref<40x4x4x64xf32, #tpu.memory_space<vmem>>) target_semaphore(%dma_start3A_432 : memref<!tpu.dma_semaphore, #tpu.memory_space<semaphore_mem>>)
    %add3A_443 = arith.constant 160 : i32
    %add3A_444 = arith.addi %mul3A_2, %add3A_443 : i32
    %dma_wait3A_445 = arith.constant 1 : i32
    %dma_wait3A_446 = arith.constant 1 : i32
    %dma_wait3A_447 = arith.constant 0 : i32
    %dma_wait3A_448 = arith.constant 0 : i32
    %dma_wait3A_449 = arith.constant 0 : i32
    %dma_wait3A_450 = arith.constant 0 : i32
    %dma_wait3A_451 = tpu.memref_slice %arg4[%dma_wait3A_445, %dma_wait3A_447, %dma_wait3A_448, %dma_wait3A_449, %dma_wait3A_450] : memref<3x40x4x4x64xf32, #tpu.memory_space<vmem>> -> memref<1x40x4x4x64xf32, #tpu.memory_space<vmem>>
    %dma_wait3A_452 = tpu.memref_squeeze %dma_wait3A_451 : memref<1x40x4x4x64xf32, #tpu.memory_space<vmem>> -> memref<40x4x4x64xf32, #tpu.memory_space<vmem>>
    %dma_wait3A_453 = arith.constant 0 : i32
    %dma_wait3A_454 = arith.constant 0 : i32
    %dma_wait3A_455 = arith.constant 0 : i32
    %dma_wait3A_456 = tpu.memref_slice %arg2[%add3A_444, %dma_wait3A_453, %dma_wait3A_454, %dma_wait3A_455] : memref<40962x4x4x64xf32, #tpu.memory_space<hbm>> -> memref<40x4x4x64xf32, #tpu.memory_space<hbm>>
    %dma_wait3A_457 = tpu.memref_slice %arg5[%dma_wait3A_446] : memref<3x!tpu.dma_semaphore, #tpu.memory_space<semaphore_mem>> -> memref<1x!tpu.dma_semaphore, #tpu.memory_space<semaphore_mem>>
    %dma_wait3A_458 = tpu.memref_squeeze %dma_wait3A_457 : memref<1x!tpu.dma_semaphore, #tpu.memory_space<semaphore_mem>> -> memref<!tpu.dma_semaphore, #tpu.memory_space<semaphore_mem>>
    %dma_wait3A_459 = arith.constant 0 : i32
    %dma_wait3A_460 = arith.constant 0 : i32
    %dma_wait3A_461 = arith.constant 0 : i32
    %dma_wait3A_462 = arith.constant 0 : i32
    %dma_wait3A_463 = tpu.memref_slice %arg4[%dma_wait3A_445, %dma_wait3A_459, %dma_wait3A_460, %dma_wait3A_461, %dma_wait3A_462] : memref<3x40x4x4x64xf32, #tpu.memory_space<vmem>> -> memref<1x40x4x4x64xf32, #tpu.memory_space<vmem>>
    %dma_wait3A_464 = tpu.memref_squeeze %dma_wait3A_463 : memref<1x40x4x4x64xf32, #tpu.memory_space<vmem>> -> memref<40x4x4x64xf32, #tpu.memory_space<vmem>>
    %dma_wait3A_465 = arith.constant 0 : i32
    %dma_wait3A_466 = arith.constant 0 : i32
    %dma_wait3A_467 = arith.constant 0 : i32
    %dma_wait3A_468 = tpu.memref_slice %arg2[%add3A_444, %dma_wait3A_465, %dma_wait3A_466, %dma_wait3A_467] : memref<40962x4x4x64xf32, #tpu.memory_space<hbm>> -> memref<40x4x4x64xf32, #tpu.memory_space<hbm>>
    tpu.wait_dma2 semaphore(%dma_wait3A_458 : memref<!tpu.dma_semaphore, #tpu.memory_space<semaphore_mem>>) src(%dma_wait3A_468 : memref<40x4x4x64xf32, #tpu.memory_space<hbm>>) dst(%dma_wait3A_464 : memref<40x4x4x64xf32, #tpu.memory_space<vmem>>)
    %add3A_469 = arith.constant 160 : i32
    %add3A_470 = arith.addi %mul3A_2, %add3A_469 : i32
    %dma_start3A_471 = arith.constant 1 : i32
    %dma_start3A_472 = arith.constant 1 : i32
    %dma_start3A_473 = arith.constant 0 : i32
    %dma_start3A_474 = arith.constant 0 : i32
    %dma_start3A_475 = arith.constant 0 : i32
    %dma_start3A_476 = arith.constant 0 : i32
    %dma_start3A_477 = tpu.memref_slice %arg4[%dma_start3A_471, %dma_start3A_473, %dma_start3A_474, %dma_start3A_475, %dma_start3A_476] : memref<3x40x4x4x64xf32, #tpu.memory_space<vmem>> -> memref<1x40x4x4x64xf32, #tpu.memory_space<vmem>>
    %dma_start3A_478 = tpu.memref_squeeze %dma_start3A_477 : memref<1x40x4x4x64xf32, #tpu.memory_space<vmem>> -> memref<40x4x4x64xf32, #tpu.memory_space<vmem>>
    %dma_start3A_479 = arith.constant 0 : i32
    %dma_start3A_480 = arith.constant 0 : i32
    %dma_start3A_481 = arith.constant 0 : i32
    %dma_start3A_482 = tpu.memref_slice %arg3[%add3A_470, %dma_start3A_479, %dma_start3A_480, %dma_start3A_481] : memref<10242x4x4x64xf32, #tpu.memory_space<hbm>> -> memref<40x4x4x64xf32, #tpu.memory_space<hbm>>
    %dma_start3A_483 = tpu.memref_slice %arg6[%dma_start3A_472] : memref<3x!tpu.dma_semaphore, #tpu.memory_space<semaphore_mem>> -> memref<1x!tpu.dma_semaphore, #tpu.memory_space<semaphore_mem>>
    %dma_start3A_484 = tpu.memref_squeeze %dma_start3A_483 : memref<1x!tpu.dma_semaphore, #tpu.memory_space<semaphore_mem>> -> memref<!tpu.dma_semaphore, #tpu.memory_space<semaphore_mem>>
    %dma_start3A_485 = arith.constant 0 : i32
    %dma_start3A_486 = arith.constant 0 : i32
    %dma_start3A_487 = arith.constant 0 : i32
    %dma_start3A_488 = tpu.memref_slice %arg3[%add3A_470, %dma_start3A_485, %dma_start3A_486, %dma_start3A_487] : memref<10242x4x4x64xf32, #tpu.memory_space<hbm>> -> memref<40x4x4x64xf32, #tpu.memory_space<hbm>>
    %dma_start3A_489 = arith.constant 0 : i32
    %dma_start3A_490 = arith.constant 0 : i32
    %dma_start3A_491 = arith.constant 0 : i32
    %dma_start3A_492 = arith.constant 0 : i32
    %dma_start3A_493 = tpu.memref_slice %arg4[%dma_start3A_471, %dma_start3A_489, %dma_start3A_490, %dma_start3A_491, %dma_start3A_492] : memref<3x40x4x4x64xf32, #tpu.memory_space<vmem>> -> memref<1x40x4x4x64xf32, #tpu.memory_space<vmem>>
    %dma_start3A_494 = tpu.memref_squeeze %dma_start3A_493 : memref<1x40x4x4x64xf32, #tpu.memory_space<vmem>> -> memref<40x4x4x64xf32, #tpu.memory_space<vmem>>
    tpu.enqueue_dma source(%dma_start3A_494 : memref<40x4x4x64xf32, #tpu.memory_space<vmem>>) target(%dma_start3A_488 : memref<40x4x4x64xf32, #tpu.memory_space<hbm>>) target_semaphore(%dma_start3A_484 : memref<!tpu.dma_semaphore, #tpu.memory_space<semaphore_mem>>)
    %add3A_495 = arith.constant 120 : i32
    %add3A_496 = arith.addi %mul3A_2, %add3A_495 : i32
    %dma_wait3A_497 = arith.constant 0 : i32
    %dma_wait3A_498 = arith.constant 0 : i32
    %dma_wait3A_499 = arith.constant 0 : i32
    %dma_wait3A_500 = arith.constant 0 : i32
    %dma_wait3A_501 = arith.constant 0 : i32
    %dma_wait3A_502 = arith.constant 0 : i32
    %dma_wait3A_503 = tpu.memref_slice %arg4[%dma_wait3A_497, %dma_wait3A_499, %dma_wait3A_500, %dma_wait3A_501, %dma_wait3A_502] : memref<3x40x4x4x64xf32, #tpu.memory_space<vmem>> -> memref<1x40x4x4x64xf32, #tpu.memory_space<vmem>>
    %dma_wait3A_504 = tpu.memref_squeeze %dma_wait3A_503 : memref<1x40x4x4x64xf32, #tpu.memory_space<vmem>> -> memref<40x4x4x64xf32, #tpu.memory_space<vmem>>
    %dma_wait3A_505 = arith.constant 0 : i32
    %dma_wait3A_506 = arith.constant 0 : i32
    %dma_wait3A_507 = arith.constant 0 : i32
    %dma_wait3A_508 = tpu.memref_slice %arg3[%add3A_496, %dma_wait3A_505, %dma_wait3A_506, %dma_wait3A_507] : memref<10242x4x4x64xf32, #tpu.memory_space<hbm>> -> memref<40x4x4x64xf32, #tpu.memory_space<hbm>>
    %dma_wait3A_509 = tpu.memref_slice %arg6[%dma_wait3A_498] : memref<3x!tpu.dma_semaphore, #tpu.memory_space<semaphore_mem>> -> memref<1x!tpu.dma_semaphore, #tpu.memory_space<semaphore_mem>>
    %dma_wait3A_510 = tpu.memref_squeeze %dma_wait3A_509 : memref<1x!tpu.dma_semaphore, #tpu.memory_space<semaphore_mem>> -> memref<!tpu.dma_semaphore, #tpu.memory_space<semaphore_mem>>
    %dma_wait3A_511 = arith.constant 0 : i32
    %dma_wait3A_512 = arith.constant 0 : i32
    %dma_wait3A_513 = arith.constant 0 : i32
    %dma_wait3A_514 = tpu.memref_slice %arg3[%add3A_496, %dma_wait3A_511, %dma_wait3A_512, %dma_wait3A_513] : memref<10242x4x4x64xf32, #tpu.memory_space<hbm>> -> memref<40x4x4x64xf32, #tpu.memory_space<hbm>>
    %dma_wait3A_515 = arith.constant 0 : i32
    %dma_wait3A_516 = arith.constant 0 : i32
    %dma_wait3A_517 = arith.constant 0 : i32
    %dma_wait3A_518 = arith.constant 0 : i32
    %dma_wait3A_519 = tpu.memref_slice %arg4[%dma_wait3A_497, %dma_wait3A_515, %dma_wait3A_516, %dma_wait3A_517, %dma_wait3A_518] : memref<3x40x4x4x64xf32, #tpu.memory_space<vmem>> -> memref<1x40x4x4x64xf32, #tpu.memory_space<vmem>>
    %dma_wait3A_520 = tpu.memref_squeeze %dma_wait3A_519 : memref<1x40x4x4x64xf32, #tpu.memory_space<vmem>> -> memref<40x4x4x64xf32, #tpu.memory_space<vmem>>
    tpu.wait_dma2 semaphore(%dma_wait3A_510 : memref<!tpu.dma_semaphore, #tpu.memory_space<semaphore_mem>>) src(%dma_wait3A_520 : memref<40x4x4x64xf32, #tpu.memory_space<vmem>>) dst(%dma_wait3A_514 : memref<40x4x4x64xf32, #tpu.memory_space<hbm>>)
    %add3A_521 = arith.constant 240 : i32
    %add3A_522 = arith.addi %mul3A_2, %add3A_521 : i32
    %dma_start3A_523 = arith.constant 0 : i32
    %dma_start3A_524 = arith.constant 0 : i32
    %dma_start3A_525 = arith.constant 0 : i32
    %dma_start3A_526 = arith.constant 0 : i32
    %dma_start3A_527 = arith.constant 0 : i32
    %dma_start3A_528 = arith.constant 0 : i32
    %dma_start3A_529 = tpu.memref_slice %arg4[%dma_start3A_523, %dma_start3A_525, %dma_start3A_526, %dma_start3A_527, %dma_start3A_528] : memref<3x40x4x4x64xf32, #tpu.memory_space<vmem>> -> memref<1x40x4x4x64xf32, #tpu.memory_space<vmem>>
    %dma_start3A_530 = tpu.memref_squeeze %dma_start3A_529 : memref<1x40x4x4x64xf32, #tpu.memory_space<vmem>> -> memref<40x4x4x64xf32, #tpu.memory_space<vmem>>
    %dma_start3A_531 = arith.constant 0 : i32
    %dma_start3A_532 = arith.constant 0 : i32
    %dma_start3A_533 = arith.constant 0 : i32
    %dma_start3A_534 = tpu.memref_slice %arg2[%add3A_522, %dma_start3A_531, %dma_start3A_532, %dma_start3A_533] : memref<40962x4x4x64xf32, #tpu.memory_space<hbm>> -> memref<40x4x4x64xf32, #tpu.memory_space<hbm>>
    %dma_start3A_535 = tpu.memref_slice %arg5[%dma_start3A_524] : memref<3x!tpu.dma_semaphore, #tpu.memory_space<semaphore_mem>> -> memref<1x!tpu.dma_semaphore, #tpu.memory_space<semaphore_mem>>
    %dma_start3A_536 = tpu.memref_squeeze %dma_start3A_535 : memref<1x!tpu.dma_semaphore, #tpu.memory_space<semaphore_mem>> -> memref<!tpu.dma_semaphore, #tpu.memory_space<semaphore_mem>>
    %dma_start3A_537 = arith.constant 0 : i32
    %dma_start3A_538 = arith.constant 0 : i32
    %dma_start3A_539 = arith.constant 0 : i32
    %dma_start3A_540 = arith.constant 0 : i32
    %dma_start3A_541 = tpu.memref_slice %arg4[%dma_start3A_523, %dma_start3A_537, %dma_start3A_538, %dma_start3A_539, %dma_start3A_540] : memref<3x40x4x4x64xf32, #tpu.memory_space<vmem>> -> memref<1x40x4x4x64xf32, #tpu.memory_space<vmem>>
    %dma_start3A_542 = tpu.memref_squeeze %dma_start3A_541 : memref<1x40x4x4x64xf32, #tpu.memory_space<vmem>> -> memref<40x4x4x64xf32, #tpu.memory_space<vmem>>
    %dma_start3A_543 = arith.constant 0 : i32
    %dma_start3A_544 = arith.constant 0 : i32
    %dma_start3A_545 = arith.constant 0 : i32
    %dma_start3A_546 = tpu.memref_slice %arg2[%add3A_522, %dma_start3A_543, %dma_start3A_544, %dma_start3A_545] : memref<40962x4x4x64xf32, #tpu.memory_space<hbm>> -> memref<40x4x4x64xf32, #tpu.memory_space<hbm>>
    tpu.enqueue_dma source(%dma_start3A_546 : memref<40x4x4x64xf32, #tpu.memory_space<hbm>>) target(%dma_start3A_542 : memref<40x4x4x64xf32, #tpu.memory_space<vmem>>) target_semaphore(%dma_start3A_536 : memref<!tpu.dma_semaphore, #tpu.memory_space<semaphore_mem>>)
    %add3A_547 = arith.constant 200 : i32
    %add3A_548 = arith.addi %mul3A_2, %add3A_547 : i32
    %dma_wait3A_549 = arith.constant 2 : i32
    %dma_wait3A_550 = arith.constant 2 : i32
    %dma_wait3A_551 = arith.constant 0 : i32
    %dma_wait3A_552 = arith.constant 0 : i32
    %dma_wait3A_553 = arith.constant 0 : i32
    %dma_wait3A_554 = arith.constant 0 : i32
    %dma_wait3A_555 = tpu.memref_slice %arg4[%dma_wait3A_549, %dma_wait3A_551, %dma_wait3A_552, %dma_wait3A_553, %dma_wait3A_554] : memref<3x40x4x4x64xf32, #tpu.memory_space<vmem>> -> memref<1x40x4x4x64xf32, #tpu.memory_space<vmem>>
    %dma_wait3A_556 = tpu.memref_squeeze %dma_wait3A_555 : memref<1x40x4x4x64xf32, #tpu.memory_space<vmem>> -> memref<40x4x4x64xf32, #tpu.memory_space<vmem>>
    %dma_wait3A_557 = arith.constant 0 : i32
    %dma_wait3A_558 = arith.constant 0 : i32
    %dma_wait3A_559 = arith.constant 0 : i32
    %dma_wait3A_560 = tpu.memref_slice %arg2[%add3A_548, %dma_wait3A_557, %dma_wait3A_558, %dma_wait3A_559] : memref<40962x4x4x64xf32, #tpu.memory_space<hbm>> -> memref<40x4x4x64xf32, #tpu.memory_space<hbm>>
    %dma_wait3A_561 = tpu.memref_slice %arg5[%dma_wait3A_550] : memref<3x!tpu.dma_semaphore, #tpu.memory_space<semaphore_mem>> -> memref<1x!tpu.dma_semaphore, #tpu.memory_space<semaphore_mem>>
    %dma_wait3A_562 = tpu.memref_squeeze %dma_wait3A_561 : memref<1x!tpu.dma_semaphore, #tpu.memory_space<semaphore_mem>> -> memref<!tpu.dma_semaphore, #tpu.memory_space<semaphore_mem>>
    %dma_wait3A_563 = arith.constant 0 : i32
    %dma_wait3A_564 = arith.constant 0 : i32
    %dma_wait3A_565 = arith.constant 0 : i32
    %dma_wait3A_566 = arith.constant 0 : i32
    %dma_wait3A_567 = tpu.memref_slice %arg4[%dma_wait3A_549, %dma_wait3A_563, %dma_wait3A_564, %dma_wait3A_565, %dma_wait3A_566] : memref<3x40x4x4x64xf32, #tpu.memory_space<vmem>> -> memref<1x40x4x4x64xf32, #tpu.memory_space<vmem>>
    %dma_wait3A_568 = tpu.memref_squeeze %dma_wait3A_567 : memref<1x40x4x4x64xf32, #tpu.memory_space<vmem>> -> memref<40x4x4x64xf32, #tpu.memory_space<vmem>>
    %dma_wait3A_569 = arith.constant 0 : i32
    %dma_wait3A_570 = arith.constant 0 : i32
    %dma_wait3A_571 = arith.constant 0 : i32
    %dma_wait3A_572 = tpu.memref_slice %arg2[%add3A_548, %dma_wait3A_569, %dma_wait3A_570, %dma_wait3A_571] : memref<40962x4x4x64xf32, #tpu.memory_space<hbm>> -> memref<40x4x4x64xf32, #tpu.memory_space<hbm>>
    tpu.wait_dma2 semaphore(%dma_wait3A_562 : memref<!tpu.dma_semaphore, #tpu.memory_space<semaphore_mem>>) src(%dma_wait3A_572 : memref<40x4x4x64xf32, #tpu.memory_space<hbm>>) dst(%dma_wait3A_568 : memref<40x4x4x64xf32, #tpu.memory_space<vmem>>)
    %add3A_573 = arith.constant 200 : i32
    %add3A_574 = arith.addi %mul3A_2, %add3A_573 : i32
    %dma_start3A_575 = arith.constant 2 : i32
    %dma_start3A_576 = arith.constant 2 : i32
    %dma_start3A_577 = arith.constant 0 : i32
    %dma_start3A_578 = arith.constant 0 : i32
    %dma_start3A_579 = arith.constant 0 : i32
    %dma_start3A_580 = arith.constant 0 : i32
    %dma_start3A_581 = tpu.memref_slice %arg4[%dma_start3A_575, %dma_start3A_577, %dma_start3A_578, %dma_start3A_579, %dma_start3A_580] : memref<3x40x4x4x64xf32, #tpu.memory_space<vmem>> -> memref<1x40x4x4x64xf32, #tpu.memory_space<vmem>>
    %dma_start3A_582 = tpu.memref_squeeze %dma_start3A_581 : memref<1x40x4x4x64xf32, #tpu.memory_space<vmem>> -> memref<40x4x4x64xf32, #tpu.memory_space<vmem>>
    %dma_start3A_583 = arith.constant 0 : i32
    %dma_start3A_584 = arith.constant 0 : i32
    %dma_start3A_585 = arith.constant 0 : i32
    %dma_start3A_586 = tpu.memref_slice %arg3[%add3A_574, %dma_start3A_583, %dma_start3A_584, %dma_start3A_585] : memref<10242x4x4x64xf32, #tpu.memory_space<hbm>> -> memref<40x4x4x64xf32, #tpu.memory_space<hbm>>
    %dma_start3A_587 = tpu.memref_slice %arg6[%dma_start3A_576] : memref<3x!tpu.dma_semaphore, #tpu.memory_space<semaphore_mem>> -> memref<1x!tpu.dma_semaphore, #tpu.memory_space<semaphore_mem>>
    %dma_start3A_588 = tpu.memref_squeeze %dma_start3A_587 : memref<1x!tpu.dma_semaphore, #tpu.memory_space<semaphore_mem>> -> memref<!tpu.dma_semaphore, #tpu.memory_space<semaphore_mem>>
    %dma_start3A_589 = arith.constant 0 : i32
    %dma_start3A_590 = arith.constant 0 : i32
    %dma_start3A_591 = arith.constant 0 : i32
    %dma_start3A_592 = tpu.memref_slice %arg3[%add3A_574, %dma_start3A_589, %dma_start3A_590, %dma_start3A_591] : memref<10242x4x4x64xf32, #tpu.memory_space<hbm>> -> memref<40x4x4x64xf32, #tpu.memory_space<hbm>>
    %dma_start3A_593 = arith.constant 0 : i32
    %dma_start3A_594 = arith.constant 0 : i32
    %dma_start3A_595 = arith.constant 0 : i32
    %dma_start3A_596 = arith.constant 0 : i32
    %dma_start3A_597 = tpu.memref_slice %arg4[%dma_start3A_575, %dma_start3A_593, %dma_start3A_594, %dma_start3A_595, %dma_start3A_596] : memref<3x40x4x4x64xf32, #tpu.memory_space<vmem>> -> memref<1x40x4x4x64xf32, #tpu.memory_space<vmem>>
    %dma_start3A_598 = tpu.memref_squeeze %dma_start3A_597 : memref<1x40x4x4x64xf32, #tpu.memory_space<vmem>> -> memref<40x4x4x64xf32, #tpu.memory_space<vmem>>
    tpu.enqueue_dma source(%dma_start3A_598 : memref<40x4x4x64xf32, #tpu.memory_space<vmem>>) target(%dma_start3A_592 : memref<40x4x4x64xf32, #tpu.memory_space<hbm>>) target_semaphore(%dma_start3A_588 : memref<!tpu.dma_semaphore, #tpu.memory_space<semaphore_mem>>)
    %add3A_599 = arith.constant 160 : i32
    %add3A_600 = arith.addi %mul3A_2, %add3A_599 : i32
    %dma_wait3A_601 = arith.constant 1 : i32
    %dma_wait3A_602 = arith.constant 1 : i32
    %dma_wait3A_603 = arith.constant 0 : i32
    %dma_wait3A_604 = arith.constant 0 : i32
    %dma_wait3A_605 = arith.constant 0 : i32
    %dma_wait3A_606 = arith.constant 0 : i32
    %dma_wait3A_607 = tpu.memref_slice %arg4[%dma_wait3A_601, %dma_wait3A_603, %dma_wait3A_604, %dma_wait3A_605, %dma_wait3A_606] : memref<3x40x4x4x64xf32, #tpu.memory_space<vmem>> -> memref<1x40x4x4x64xf32, #tpu.memory_space<vmem>>
    %dma_wait3A_608 = tpu.memref_squeeze %dma_wait3A_607 : memref<1x40x4x4x64xf32, #tpu.memory_space<vmem>> -> memref<40x4x4x64xf32, #tpu.memory_space<vmem>>
    %dma_wait3A_609 = arith.constant 0 : i32
    %dma_wait3A_610 = arith.constant 0 : i32
    %dma_wait3A_611 = arith.constant 0 : i32
    %dma_wait3A_612 = tpu.memref_slice %arg3[%add3A_600, %dma_wait3A_609, %dma_wait3A_610, %dma_wait3A_611] : memref<10242x4x4x64xf32, #tpu.memory_space<hbm>> -> memref<40x4x4x64xf32, #tpu.memory_space<hbm>>
    %dma_wait3A_613 = tpu.memref_slice %arg6[%dma_wait3A_602] : memref<3x!tpu.dma_semaphore, #tpu.memory_space<semaphore_mem>> -> memref<1x!tpu.dma_semaphore, #tpu.memory_space<semaphore_mem>>
    %dma_wait3A_614 = tpu.memref_squeeze %dma_wait3A_613 : memref<1x!tpu.dma_semaphore, #tpu.memory_space<semaphore_mem>> -> memref<!tpu.dma_semaphore, #tpu.memory_space<semaphore_mem>>
    %dma_wait3A_615 = arith.constant 0 : i32
    %dma_wait3A_616 = arith.constant 0 : i32
    %dma_wait3A_617 = arith.constant 0 : i32
    %dma_wait3A_618 = tpu.memref_slice %arg3[%add3A_600, %dma_wait3A_615, %dma_wait3A_616, %dma_wait3A_617] : memref<10242x4x4x64xf32, #tpu.memory_space<hbm>> -> memref<40x4x4x64xf32, #tpu.memory_space<hbm>>
    %dma_wait3A_619 = arith.constant 0 : i32
    %dma_wait3A_620 = arith.constant 0 : i32
    %dma_wait3A_621 = arith.constant 0 : i32
    %dma_wait3A_622 = arith.constant 0 : i32
    %dma_wait3A_623 = tpu.memref_slice %arg4[%dma_wait3A_601, %dma_wait3A_619, %dma_wait3A_620, %dma_wait3A_621, %dma_wait3A_622] : memref<3x40x4x4x64xf32, #tpu.memory_space<vmem>> -> memref<1x40x4x4x64xf32, #tpu.memory_space<vmem>>
    %dma_wait3A_624 = tpu.memref_squeeze %dma_wait3A_623 : memref<1x40x4x4x64xf32, #tpu.memory_space<vmem>> -> memref<40x4x4x64xf32, #tpu.memory_space<vmem>>
    tpu.wait_dma2 semaphore(%dma_wait3A_614 : memref<!tpu.dma_semaphore, #tpu.memory_space<semaphore_mem>>) src(%dma_wait3A_624 : memref<40x4x4x64xf32, #tpu.memory_space<vmem>>) dst(%dma_wait3A_618 : memref<40x4x4x64xf32, #tpu.memory_space<hbm>>)
    %add3A_625 = arith.constant 280 : i32
    %add3A_626 = arith.addi %mul3A_2, %add3A_625 : i32
    %dma_start3A_627 = arith.constant 1 : i32
    %dma_start3A_628 = arith.constant 1 : i32
    %dma_start3A_629 = arith.constant 0 : i32
    %dma_start3A_630 = arith.constant 0 : i32
    %dma_start3A_631 = arith.constant 0 : i32
    %dma_start3A_632 = arith.constant 0 : i32
    %dma_start3A_633 = tpu.memref_slice %arg4[%dma_start3A_627, %dma_start3A_629, %dma_start3A_630, %dma_start3A_631, %dma_start3A_632] : memref<3x40x4x4x64xf32, #tpu.memory_space<vmem>> -> memref<1x40x4x4x64xf32, #tpu.memory_space<vmem>>
    %dma_start3A_634 = tpu.memref_squeeze %dma_start3A_633 : memref<1x40x4x4x64xf32, #tpu.memory_space<vmem>> -> memref<40x4x4x64xf32, #tpu.memory_space<vmem>>
    %dma_start3A_635 = arith.constant 0 : i32
    %dma_start3A_636 = arith.constant 0 : i32
    %dma_start3A_637 = arith.constant 0 : i32
    %dma_start3A_638 = tpu.memref_slice %arg2[%add3A_626, %dma_start3A_635, %dma_start3A_636, %dma_start3A_637] : memref<40962x4x4x64xf32, #tpu.memory_space<hbm>> -> memref<40x4x4x64xf32, #tpu.memory_space<hbm>>
    %dma_start3A_639 = tpu.memref_slice %arg5[%dma_start3A_628] : memref<3x!tpu.dma_semaphore, #tpu.memory_space<semaphore_mem>> -> memref<1x!tpu.dma_semaphore, #tpu.memory_space<semaphore_mem>>
    %dma_start3A_640 = tpu.memref_squeeze %dma_start3A_639 : memref<1x!tpu.dma_semaphore, #tpu.memory_space<semaphore_mem>> -> memref<!tpu.dma_semaphore, #tpu.memory_space<semaphore_mem>>
    %dma_start3A_641 = arith.constant 0 : i32
    %dma_start3A_642 = arith.constant 0 : i32
    %dma_start3A_643 = arith.constant 0 : i32
    %dma_start3A_644 = arith.constant 0 : i32
    %dma_start3A_645 = tpu.memref_slice %arg4[%dma_start3A_627, %dma_start3A_641, %dma_start3A_642, %dma_start3A_643, %dma_start3A_644] : memref<3x40x4x4x64xf32, #tpu.memory_space<vmem>> -> memref<1x40x4x4x64xf32, #tpu.memory_space<vmem>>
    %dma_start3A_646 = tpu.memref_squeeze %dma_start3A_645 : memref<1x40x4x4x64xf32, #tpu.memory_space<vmem>> -> memref<40x4x4x64xf32, #tpu.memory_space<vmem>>
    %dma_start3A_647 = arith.constant 0 : i32
    %dma_start3A_648 = arith.constant 0 : i32
    %dma_start3A_649 = arith.constant 0 : i32
    %dma_start3A_650 = tpu.memref_slice %arg2[%add3A_626, %dma_start3A_647, %dma_start3A_648, %dma_start3A_649] : memref<40962x4x4x64xf32, #tpu.memory_space<hbm>> -> memref<40x4x4x64xf32, #tpu.memory_space<hbm>>
    tpu.enqueue_dma source(%dma_start3A_650 : memref<40x4x4x64xf32, #tpu.memory_space<hbm>>) target(%dma_start3A_646 : memref<40x4x4x64xf32, #tpu.memory_space<vmem>>) target_semaphore(%dma_start3A_640 : memref<!tpu.dma_semaphore, #tpu.memory_space<semaphore_mem>>)
    %add3A_651 = arith.constant 240 : i32
    %add3A_652 = arith.addi %mul3A_2, %add3A_651 : i32
    %dma_wait3A_653 = arith.constant 0 : i32
    %dma_wait3A_654 = arith.constant 0 : i32
    %dma_wait3A_655 = arith.constant 0 : i32
    %dma_wait3A_656 = arith.constant 0 : i32
    %dma_wait3A_657 = arith.constant 0 : i32
    %dma_wait3A_658 = arith.constant 0 : i32
    %dma_wait3A_659 = tpu.memref_slice %arg4[%dma_wait3A_653, %dma_wait3A_655, %dma_wait3A_656, %dma_wait3A_657, %dma_wait3A_658] : memref<3x40x4x4x64xf32, #tpu.memory_space<vmem>> -> memref<1x40x4x4x64xf32, #tpu.memory_space<vmem>>
    %dma_wait3A_660 = tpu.memref_squeeze %dma_wait3A_659 : memref<1x40x4x4x64xf32, #tpu.memory_space<vmem>> -> memref<40x4x4x64xf32, #tpu.memory_space<vmem>>
    %dma_wait3A_661 = arith.constant 0 : i32
    %dma_wait3A_662 = arith.constant 0 : i32
    %dma_wait3A_663 = arith.constant 0 : i32
    %dma_wait3A_664 = tpu.memref_slice %arg2[%add3A_652, %dma_wait3A_661, %dma_wait3A_662, %dma_wait3A_663] : memref<40962x4x4x64xf32, #tpu.memory_space<hbm>> -> memref<40x4x4x64xf32, #tpu.memory_space<hbm>>
    %dma_wait3A_665 = tpu.memref_slice %arg5[%dma_wait3A_654] : memref<3x!tpu.dma_semaphore, #tpu.memory_space<semaphore_mem>> -> memref<1x!tpu.dma_semaphore, #tpu.memory_space<semaphore_mem>>
    %dma_wait3A_666 = tpu.memref_squeeze %dma_wait3A_665 : memref<1x!tpu.dma_semaphore, #tpu.memory_space<semaphore_mem>> -> memref<!tpu.dma_semaphore, #tpu.memory_space<semaphore_mem>>
    %dma_wait3A_667 = arith.constant 0 : i32
    %dma_wait3A_668 = arith.constant 0 : i32
    %dma_wait3A_669 = arith.constant 0 : i32
    %dma_wait3A_670 = arith.constant 0 : i32
    %dma_wait3A_671 = tpu.memref_slice %arg4[%dma_wait3A_653, %dma_wait3A_667, %dma_wait3A_668, %dma_wait3A_669, %dma_wait3A_670] : memref<3x40x4x4x64xf32, #tpu.memory_space<vmem>> -> memref<1x40x4x4x64xf32, #tpu.memory_space<vmem>>
    %dma_wait3A_672 = tpu.memref_squeeze %dma_wait3A_671 : memref<1x40x4x4x64xf32, #tpu.memory_space<vmem>> -> memref<40x4x4x64xf32, #tpu.memory_space<vmem>>
    %dma_wait3A_673 = arith.constant 0 : i32
    %dma_wait3A_674 = arith.constant 0 : i32
    %dma_wait3A_675 = arith.constant 0 : i32
    %dma_wait3A_676 = tpu.memref_slice %arg2[%add3A_652, %dma_wait3A_673, %dma_wait3A_674, %dma_wait3A_675] : memref<40962x4x4x64xf32, #tpu.memory_space<hbm>> -> memref<40x4x4x64xf32, #tpu.memory_space<hbm>>
    tpu.wait_dma2 semaphore(%dma_wait3A_666 : memref<!tpu.dma_semaphore, #tpu.memory_space<semaphore_mem>>) src(%dma_wait3A_676 : memref<40x4x4x64xf32, #tpu.memory_space<hbm>>) dst(%dma_wait3A_672 : memref<40x4x4x64xf32, #tpu.memory_space<vmem>>)
    %add3A_677 = arith.constant 240 : i32
    %add3A_678 = arith.addi %mul3A_2, %add3A_677 : i32
    %dma_start3A_679 = arith.constant 0 : i32
    %dma_start3A_680 = arith.constant 0 : i32
    %dma_start3A_681 = arith.constant 0 : i32
    %dma_start3A_682 = arith.constant 0 : i32
    %dma_start3A_683 = arith.constant 0 : i32
    %dma_start3A_684 = arith.constant 0 : i32
    %dma_start3A_685 = tpu.memref_slice %arg4[%dma_start3A_679, %dma_start3A_681, %dma_start3A_682, %dma_start3A_683, %dma_start3A_684] : memref<3x40x4x4x64xf32, #tpu.memory_space<vmem>> -> memref<1x40x4x4x64xf32, #tpu.memory_space<vmem>>
    %dma_start3A_686 = tpu.memref_squeeze %dma_start3A_685 : memref<1x40x4x4x64xf32, #tpu.memory_space<vmem>> -> memref<40x4x4x64xf32, #tpu.memory_space<vmem>>
    %dma_start3A_687 = arith.constant 0 : i32
    %dma_start3A_688 = arith.constant 0 : i32
    %dma_start3A_689 = arith.constant 0 : i32
    %dma_start3A_690 = tpu.memref_slice %arg3[%add3A_678, %dma_start3A_687, %dma_start3A_688, %dma_start3A_689] : memref<10242x4x4x64xf32, #tpu.memory_space<hbm>> -> memref<40x4x4x64xf32, #tpu.memory_space<hbm>>
    %dma_start3A_691 = tpu.memref_slice %arg6[%dma_start3A_680] : memref<3x!tpu.dma_semaphore, #tpu.memory_space<semaphore_mem>> -> memref<1x!tpu.dma_semaphore, #tpu.memory_space<semaphore_mem>>
    %dma_start3A_692 = tpu.memref_squeeze %dma_start3A_691 : memref<1x!tpu.dma_semaphore, #tpu.memory_space<semaphore_mem>> -> memref<!tpu.dma_semaphore, #tpu.memory_space<semaphore_mem>>
    %dma_start3A_693 = arith.constant 0 : i32
    %dma_start3A_694 = arith.constant 0 : i32
    %dma_start3A_695 = arith.constant 0 : i32
    %dma_start3A_696 = tpu.memref_slice %arg3[%add3A_678, %dma_start3A_693, %dma_start3A_694, %dma_start3A_695] : memref<10242x4x4x64xf32, #tpu.memory_space<hbm>> -> memref<40x4x4x64xf32, #tpu.memory_space<hbm>>
    %dma_start3A_697 = arith.constant 0 : i32
    %dma_start3A_698 = arith.constant 0 : i32
    %dma_start3A_699 = arith.constant 0 : i32
    %dma_start3A_700 = arith.constant 0 : i32
    %dma_start3A_701 = tpu.memref_slice %arg4[%dma_start3A_679, %dma_start3A_697, %dma_start3A_698, %dma_start3A_699, %dma_start3A_700] : memref<3x40x4x4x64xf32, #tpu.memory_space<vmem>> -> memref<1x40x4x4x64xf32, #tpu.memory_space<vmem>>
    %dma_start3A_702 = tpu.memref_squeeze %dma_start3A_701 : memref<1x40x4x4x64xf32, #tpu.memory_space<vmem>> -> memref<40x4x4x64xf32, #tpu.memory_space<vmem>>
    tpu.enqueue_dma source(%dma_start3A_702 : memref<40x4x4x64xf32, #tpu.memory_space<vmem>>) target(%dma_start3A_696 : memref<40x4x4x64xf32, #tpu.memory_space<hbm>>) target_semaphore(%dma_start3A_692 : memref<!tpu.dma_semaphore, #tpu.memory_space<semaphore_mem>>)
    %add3A_703 = arith.constant 280 : i32
    %add3A_704 = arith.addi %mul3A_2, %add3A_703 : i32
    %dma_wait3A_705 = arith.constant 1 : i32
    %dma_wait3A_706 = arith.constant 1 : i32
    %dma_wait3A_707 = arith.constant 0 : i32
    %dma_wait3A_708 = arith.constant 0 : i32
    %dma_wait3A_709 = arith.constant 0 : i32
    %dma_wait3A_710 = arith.constant 0 : i32
    %dma_wait3A_711 = tpu.memref_slice %arg4[%dma_wait3A_705, %dma_wait3A_707, %dma_wait3A_708, %dma_wait3A_709, %dma_wait3A_710] : memref<3x40x4x4x64xf32, #tpu.memory_space<vmem>> -> memref<1x40x4x4x64xf32, #tpu.memory_space<vmem>>
    %dma_wait3A_712 = tpu.memref_squeeze %dma_wait3A_711 : memref<1x40x4x4x64xf32, #tpu.memory_space<vmem>> -> memref<40x4x4x64xf32, #tpu.memory_space<vmem>>
    %dma_wait3A_713 = arith.constant 0 : i32
    %dma_wait3A_714 = arith.constant 0 : i32
    %dma_wait3A_715 = arith.constant 0 : i32
    %dma_wait3A_716 = tpu.memref_slice %arg2[%add3A_704, %dma_wait3A_713, %dma_wait3A_714, %dma_wait3A_715] : memref<40962x4x4x64xf32, #tpu.memory_space<hbm>> -> memref<40x4x4x64xf32, #tpu.memory_space<hbm>>
    %dma_wait3A_717 = tpu.memref_slice %arg5[%dma_wait3A_706] : memref<3x!tpu.dma_semaphore, #tpu.memory_space<semaphore_mem>> -> memref<1x!tpu.dma_semaphore, #tpu.memory_space<semaphore_mem>>
    %dma_wait3A_718 = tpu.memref_squeeze %dma_wait3A_717 : memref<1x!tpu.dma_semaphore, #tpu.memory_space<semaphore_mem>> -> memref<!tpu.dma_semaphore, #tpu.memory_space<semaphore_mem>>
    %dma_wait3A_719 = arith.constant 0 : i32
    %dma_wait3A_720 = arith.constant 0 : i32
    %dma_wait3A_721 = arith.constant 0 : i32
    %dma_wait3A_722 = arith.constant 0 : i32
    %dma_wait3A_723 = tpu.memref_slice %arg4[%dma_wait3A_705, %dma_wait3A_719, %dma_wait3A_720, %dma_wait3A_721, %dma_wait3A_722] : memref<3x40x4x4x64xf32, #tpu.memory_space<vmem>> -> memref<1x40x4x4x64xf32, #tpu.memory_space<vmem>>
    %dma_wait3A_724 = tpu.memref_squeeze %dma_wait3A_723 : memref<1x40x4x4x64xf32, #tpu.memory_space<vmem>> -> memref<40x4x4x64xf32, #tpu.memory_space<vmem>>
    %dma_wait3A_725 = arith.constant 0 : i32
    %dma_wait3A_726 = arith.constant 0 : i32
    %dma_wait3A_727 = arith.constant 0 : i32
    %dma_wait3A_728 = tpu.memref_slice %arg2[%add3A_704, %dma_wait3A_725, %dma_wait3A_726, %dma_wait3A_727] : memref<40962x4x4x64xf32, #tpu.memory_space<hbm>> -> memref<40x4x4x64xf32, #tpu.memory_space<hbm>>
    tpu.wait_dma2 semaphore(%dma_wait3A_718 : memref<!tpu.dma_semaphore, #tpu.memory_space<semaphore_mem>>) src(%dma_wait3A_728 : memref<40x4x4x64xf32, #tpu.memory_space<hbm>>) dst(%dma_wait3A_724 : memref<40x4x4x64xf32, #tpu.memory_space<vmem>>)
    %add3A_729 = arith.constant 280 : i32
    %add3A_730 = arith.addi %mul3A_2, %add3A_729 : i32
    %dma_start3A_731 = arith.constant 1 : i32
    %dma_start3A_732 = arith.constant 1 : i32
    %dma_start3A_733 = arith.constant 0 : i32
    %dma_start3A_734 = arith.constant 0 : i32
    %dma_start3A_735 = arith.constant 0 : i32
    %dma_start3A_736 = arith.constant 0 : i32
    %dma_start3A_737 = tpu.memref_slice %arg4[%dma_start3A_731, %dma_start3A_733, %dma_start3A_734, %dma_start3A_735, %dma_start3A_736] : memref<3x40x4x4x64xf32, #tpu.memory_space<vmem>> -> memref<1x40x4x4x64xf32, #tpu.memory_space<vmem>>
    %dma_start3A_738 = tpu.memref_squeeze %dma_start3A_737 : memref<1x40x4x4x64xf32, #tpu.memory_space<vmem>> -> memref<40x4x4x64xf32, #tpu.memory_space<vmem>>
    %dma_start3A_739 = arith.constant 0 : i32
    %dma_start3A_740 = arith.constant 0 : i32
    %dma_start3A_741 = arith.constant 0 : i32
    %dma_start3A_742 = tpu.memref_slice %arg3[%add3A_730, %dma_start3A_739, %dma_start3A_740, %dma_start3A_741] : memref<10242x4x4x64xf32, #tpu.memory_space<hbm>> -> memref<40x4x4x64xf32, #tpu.memory_space<hbm>>
    %dma_start3A_743 = tpu.memref_slice %arg6[%dma_start3A_732] : memref<3x!tpu.dma_semaphore, #tpu.memory_space<semaphore_mem>> -> memref<1x!tpu.dma_semaphore, #tpu.memory_space<semaphore_mem>>
    %dma_start3A_744 = tpu.memref_squeeze %dma_start3A_743 : memref<1x!tpu.dma_semaphore, #tpu.memory_space<semaphore_mem>> -> memref<!tpu.dma_semaphore, #tpu.memory_space<semaphore_mem>>
    %dma_start3A_745 = arith.constant 0 : i32
    %dma_start3A_746 = arith.constant 0 : i32
    %dma_start3A_747 = arith.constant 0 : i32
    %dma_start3A_748 = tpu.memref_slice %arg3[%add3A_730, %dma_start3A_745, %dma_start3A_746, %dma_start3A_747] : memref<10242x4x4x64xf32, #tpu.memory_space<hbm>> -> memref<40x4x4x64xf32, #tpu.memory_space<hbm>>
    %dma_start3A_749 = arith.constant 0 : i32
    %dma_start3A_750 = arith.constant 0 : i32
    %dma_start3A_751 = arith.constant 0 : i32
    %dma_start3A_752 = arith.constant 0 : i32
    %dma_start3A_753 = tpu.memref_slice %arg4[%dma_start3A_731, %dma_start3A_749, %dma_start3A_750, %dma_start3A_751, %dma_start3A_752] : memref<3x40x4x4x64xf32, #tpu.memory_space<vmem>> -> memref<1x40x4x4x64xf32, #tpu.memory_space<vmem>>
    %dma_start3A_754 = tpu.memref_squeeze %dma_start3A_753 : memref<1x40x4x4x64xf32, #tpu.memory_space<vmem>> -> memref<40x4x4x64xf32, #tpu.memory_space<vmem>>
    tpu.enqueue_dma source(%dma_start3A_754 : memref<40x4x4x64xf32, #tpu.memory_space<vmem>>) target(%dma_start3A_748 : memref<40x4x4x64xf32, #tpu.memory_space<hbm>>) target_semaphore(%dma_start3A_744 : memref<!tpu.dma_semaphore, #tpu.memory_space<semaphore_mem>>)
    %add3A_755 = arith.constant 200 : i32
    %add3A_756 = arith.addi %mul3A_2, %add3A_755 : i32
    %dma_wait3A_757 = arith.constant 2 : i32
    %dma_wait3A_758 = arith.constant 2 : i32
    %dma_wait3A_759 = arith.constant 0 : i32
    %dma_wait3A_760 = arith.constant 0 : i32
    %dma_wait3A_761 = arith.constant 0 : i32
    %dma_wait3A_762 = arith.constant 0 : i32
    %dma_wait3A_763 = tpu.memref_slice %arg4[%dma_wait3A_757, %dma_wait3A_759, %dma_wait3A_760, %dma_wait3A_761, %dma_wait3A_762] : memref<3x40x4x4x64xf32, #tpu.memory_space<vmem>> -> memref<1x40x4x4x64xf32, #tpu.memory_space<vmem>>
    %dma_wait3A_764 = tpu.memref_squeeze %dma_wait3A_763 : memref<1x40x4x4x64xf32, #tpu.memory_space<vmem>> -> memref<40x4x4x64xf32, #tpu.memory_space<vmem>>
    %dma_wait3A_765 = arith.constant 0 : i32
    %dma_wait3A_766 = arith.constant 0 : i32
    %dma_wait3A_767 = arith.constant 0 : i32
    %dma_wait3A_768 = tpu.memref_slice %arg3[%add3A_756, %dma_wait3A_765, %dma_wait3A_766, %dma_wait3A_767] : memref<10242x4x4x64xf32, #tpu.memory_space<hbm>> -> memref<40x4x4x64xf32, #tpu.memory_space<hbm>>
    %dma_wait3A_769 = tpu.memref_slice %arg6[%dma_wait3A_758] : memref<3x!tpu.dma_semaphore, #tpu.memory_space<semaphore_mem>> -> memref<1x!tpu.dma_semaphore, #tpu.memory_space<semaphore_mem>>
    %dma_wait3A_770 = tpu.memref_squeeze %dma_wait3A_769 : memref<1x!tpu.dma_semaphore, #tpu.memory_space<semaphore_mem>> -> memref<!tpu.dma_semaphore, #tpu.memory_space<semaphore_mem>>
    %dma_wait3A_771 = arith.constant 0 : i32
    %dma_wait3A_772 = arith.constant 0 : i32
    %dma_wait3A_773 = arith.constant 0 : i32
    %dma_wait3A_774 = tpu.memref_slice %arg3[%add3A_756, %dma_wait3A_771, %dma_wait3A_772, %dma_wait3A_773] : memref<10242x4x4x64xf32, #tpu.memory_space<hbm>> -> memref<40x4x4x64xf32, #tpu.memory_space<hbm>>
    %dma_wait3A_775 = arith.constant 0 : i32
    %dma_wait3A_776 = arith.constant 0 : i32
    %dma_wait3A_777 = arith.constant 0 : i32
    %dma_wait3A_778 = arith.constant 0 : i32
    %dma_wait3A_779 = tpu.memref_slice %arg4[%dma_wait3A_757, %dma_wait3A_775, %dma_wait3A_776, %dma_wait3A_777, %dma_wait3A_778] : memref<3x40x4x4x64xf32, #tpu.memory_space<vmem>> -> memref<1x40x4x4x64xf32, #tpu.memory_space<vmem>>
    %dma_wait3A_780 = tpu.memref_squeeze %dma_wait3A_779 : memref<1x40x4x4x64xf32, #tpu.memory_space<vmem>> -> memref<40x4x4x64xf32, #tpu.memory_space<vmem>>
    tpu.wait_dma2 semaphore(%dma_wait3A_770 : memref<!tpu.dma_semaphore, #tpu.memory_space<semaphore_mem>>) src(%dma_wait3A_780 : memref<40x4x4x64xf32, #tpu.memory_space<vmem>>) dst(%dma_wait3A_774 : memref<40x4x4x64xf32, #tpu.memory_space<hbm>>)
    %add3A_781 = arith.constant 240 : i32
    %add3A_782 = arith.addi %mul3A_2, %add3A_781 : i32
    %dma_wait3A_783 = arith.constant 0 : i32
    %dma_wait3A_784 = arith.constant 0 : i32
    %dma_wait3A_785 = arith.constant 0 : i32
    %dma_wait3A_786 = arith.constant 0 : i32
    %dma_wait3A_787 = arith.constant 0 : i32
    %dma_wait3A_788 = arith.constant 0 : i32
    %dma_wait3A_789 = tpu.memref_slice %arg4[%dma_wait3A_783, %dma_wait3A_785, %dma_wait3A_786, %dma_wait3A_787, %dma_wait3A_788] : memref<3x40x4x4x64xf32, #tpu.memory_space<vmem>> -> memref<1x40x4x4x64xf32, #tpu.memory_space<vmem>>
    %dma_wait3A_790 = tpu.memref_squeeze %dma_wait3A_789 : memref<1x40x4x4x64xf32, #tpu.memory_space<vmem>> -> memref<40x4x4x64xf32, #tpu.memory_space<vmem>>
    %dma_wait3A_791 = arith.constant 0 : i32
    %dma_wait3A_792 = arith.constant 0 : i32
    %dma_wait3A_793 = arith.constant 0 : i32
    %dma_wait3A_794 = tpu.memref_slice %arg3[%add3A_782, %dma_wait3A_791, %dma_wait3A_792, %dma_wait3A_793] : memref<10242x4x4x64xf32, #tpu.memory_space<hbm>> -> memref<40x4x4x64xf32, #tpu.memory_space<hbm>>
    %dma_wait3A_795 = tpu.memref_slice %arg6[%dma_wait3A_784] : memref<3x!tpu.dma_semaphore, #tpu.memory_space<semaphore_mem>> -> memref<1x!tpu.dma_semaphore, #tpu.memory_space<semaphore_mem>>
    %dma_wait3A_796 = tpu.memref_squeeze %dma_wait3A_795 : memref<1x!tpu.dma_semaphore, #tpu.memory_space<semaphore_mem>> -> memref<!tpu.dma_semaphore, #tpu.memory_space<semaphore_mem>>
    %dma_wait3A_797 = arith.constant 0 : i32
    %dma_wait3A_798 = arith.constant 0 : i32
    %dma_wait3A_799 = arith.constant 0 : i32
    %dma_wait3A_800 = tpu.memref_slice %arg3[%add3A_782, %dma_wait3A_797, %dma_wait3A_798, %dma_wait3A_799] : memref<10242x4x4x64xf32, #tpu.memory_space<hbm>> -> memref<40x4x4x64xf32, #tpu.memory_space<hbm>>
    %dma_wait3A_801 = arith.constant 0 : i32
    %dma_wait3A_802 = arith.constant 0 : i32
    %dma_wait3A_803 = arith.constant 0 : i32
    %dma_wait3A_804 = arith.constant 0 : i32
    %dma_wait3A_805 = tpu.memref_slice %arg4[%dma_wait3A_783, %dma_wait3A_801, %dma_wait3A_802, %dma_wait3A_803, %dma_wait3A_804] : memref<3x40x4x4x64xf32, #tpu.memory_space<vmem>> -> memref<1x40x4x4x64xf32, #tpu.memory_space<vmem>>
    %dma_wait3A_806 = tpu.memref_squeeze %dma_wait3A_805 : memref<1x40x4x4x64xf32, #tpu.memory_space<vmem>> -> memref<40x4x4x64xf32, #tpu.memory_space<vmem>>
    tpu.wait_dma2 semaphore(%dma_wait3A_796 : memref<!tpu.dma_semaphore, #tpu.memory_space<semaphore_mem>>) src(%dma_wait3A_806 : memref<40x4x4x64xf32, #tpu.memory_space<vmem>>) dst(%dma_wait3A_800 : memref<40x4x4x64xf32, #tpu.memory_space<hbm>>)
    %add3A_807 = arith.constant 280 : i32
    %add3A_808 = arith.addi %mul3A_2, %add3A_807 : i32
    %dma_wait3A_809 = arith.constant 1 : i32
    %dma_wait3A_810 = arith.constant 1 : i32
    %dma_wait3A_811 = arith.constant 0 : i32
    %dma_wait3A_812 = arith.constant 0 : i32
    %dma_wait3A_813 = arith.constant 0 : i32
    %dma_wait3A_814 = arith.constant 0 : i32
    %dma_wait3A_815 = tpu.memref_slice %arg4[%dma_wait3A_809, %dma_wait3A_811, %dma_wait3A_812, %dma_wait3A_813, %dma_wait3A_814] : memref<3x40x4x4x64xf32, #tpu.memory_space<vmem>> -> memref<1x40x4x4x64xf32, #tpu.memory_space<vmem>>
    %dma_wait3A_816 = tpu.memref_squeeze %dma_wait3A_815 : memref<1x40x4x4x64xf32, #tpu.memory_space<vmem>> -> memref<40x4x4x64xf32, #tpu.memory_space<vmem>>
    %dma_wait3A_817 = arith.constant 0 : i32
    %dma_wait3A_818 = arith.constant 0 : i32
    %dma_wait3A_819 = arith.constant 0 : i32
    %dma_wait3A_820 = tpu.memref_slice %arg3[%add3A_808, %dma_wait3A_817, %dma_wait3A_818, %dma_wait3A_819] : memref<10242x4x4x64xf32, #tpu.memory_space<hbm>> -> memref<40x4x4x64xf32, #tpu.memory_space<hbm>>
    %dma_wait3A_821 = tpu.memref_slice %arg6[%dma_wait3A_810] : memref<3x!tpu.dma_semaphore, #tpu.memory_space<semaphore_mem>> -> memref<1x!tpu.dma_semaphore, #tpu.memory_space<semaphore_mem>>
    %dma_wait3A_822 = tpu.memref_squeeze %dma_wait3A_821 : memref<1x!tpu.dma_semaphore, #tpu.memory_space<semaphore_mem>> -> memref<!tpu.dma_semaphore, #tpu.memory_space<semaphore_mem>>
    %dma_wait3A_823 = arith.constant 0 : i32
    %dma_wait3A_824 = arith.constant 0 : i32
    %dma_wait3A_825 = arith.constant 0 : i32
    %dma_wait3A_826 = tpu.memref_slice %arg3[%add3A_808, %dma_wait3A_823, %dma_wait3A_824, %dma_wait3A_825] : memref<10242x4x4x64xf32, #tpu.memory_space<hbm>> -> memref<40x4x4x64xf32, #tpu.memory_space<hbm>>
    %dma_wait3A_827 = arith.constant 0 : i32
    %dma_wait3A_828 = arith.constant 0 : i32
    %dma_wait3A_829 = arith.constant 0 : i32
    %dma_wait3A_830 = arith.constant 0 : i32
    %dma_wait3A_831 = tpu.memref_slice %arg4[%dma_wait3A_809, %dma_wait3A_827, %dma_wait3A_828, %dma_wait3A_829, %dma_wait3A_830] : memref<3x40x4x4x64xf32, #tpu.memory_space<vmem>> -> memref<1x40x4x4x64xf32, #tpu.memory_space<vmem>>
    %dma_wait3A_832 = tpu.memref_squeeze %dma_wait3A_831 : memref<1x40x4x4x64xf32, #tpu.memory_space<vmem>> -> memref<40x4x4x64xf32, #tpu.memory_space<vmem>>
    tpu.wait_dma2 semaphore(%dma_wait3A_822 : memref<!tpu.dma_semaphore, #tpu.memory_space<semaphore_mem>>) src(%dma_wait3A_832 : memref<40x4x4x64xf32, #tpu.memory_space<vmem>>) dst(%dma_wait3A_826 : memref<40x4x4x64xf32, #tpu.memory_space<hbm>>)
    %eq3A = arith.constant 0 : i32
    %eq3A_833 = arith.cmpi eq, %add3A, %eq3A : i32
    %convert_element_type3A = arith.extui %eq3A_833 : i1 to i32
    %cond3A = arith.constant 0 : i32
    %cond3A_834 = arith.cmpi ne, %convert_element_type3A, %cond3A : i32
    scf.if %cond3A_834 {
      %dma_start3A_835 = arith.constant 0 : i32
      %dma_start3A_836 = arith.constant 0 : i32
      %dma_start3A_837 = arith.constant 0 : i32
      %dma_start3A_838 = arith.constant 0 : i32
      %dma_start3A_839 = arith.constant 0 : i32
      %dma_start3A_840 = tpu.memref_slice %arg4[%dma_start3A_835, %dma_start3A_836, %dma_start3A_837, %dma_start3A_838, %dma_start3A_839] : memref<3x40x4x4x64xf32, #tpu.memory_space<vmem>> -> memref<1x2x4x4x64xf32, #tpu.memory_space<vmem>>
      %dma_start3A_841 = tpu.memref_squeeze %dma_start3A_840 : memref<1x2x4x4x64xf32, #tpu.memory_space<vmem>> -> memref<2x4x4x64xf32, #tpu.memory_space<vmem>>
      %dma_start3A_842 = arith.constant 10240 : i32
      %dma_start3A_843 = arith.constant 0 : i32
      %dma_start3A_844 = arith.constant 0 : i32
      %dma_start3A_845 = arith.constant 0 : i32
      %dma_start3A_846 = tpu.memref_slice %arg2[%dma_start3A_842, %dma_start3A_843, %dma_start3A_844, %dma_start3A_845] : memref<40962x4x4x64xf32, #tpu.memory_space<hbm>> -> memref<2x4x4x64xf32, #tpu.memory_space<hbm>>
      %dma_start3A_847 = arith.constant 0 : i32
      %dma_start3A_848 = arith.constant 0 : i32
      %dma_start3A_849 = arith.constant 0 : i32
      %dma_start3A_850 = arith.constant 0 : i32
      %dma_start3A_851 = tpu.memref_slice %arg4[%dma_start3A_835, %dma_start3A_847, %dma_start3A_848, %dma_start3A_849, %dma_start3A_850] : memref<3x40x4x4x64xf32, #tpu.memory_space<vmem>> -> memref<1x2x4x4x64xf32, #tpu.memory_space<vmem>>
      %dma_start3A_852 = tpu.memref_squeeze %dma_start3A_851 : memref<1x2x4x4x64xf32, #tpu.memory_space<vmem>> -> memref<2x4x4x64xf32, #tpu.memory_space<vmem>>
      %dma_start3A_853 = arith.constant 10240 : i32
      %dma_start3A_854 = arith.constant 0 : i32
      %dma_start3A_855 = arith.constant 0 : i32
      %dma_start3A_856 = arith.constant 0 : i32
      %dma_start3A_857 = tpu.memref_slice %arg2[%dma_start3A_853, %dma_start3A_854, %dma_start3A_855, %dma_start3A_856] : memref<40962x4x4x64xf32, #tpu.memory_space<hbm>> -> memref<2x4x4x64xf32, #tpu.memory_space<hbm>>
      tpu.enqueue_dma source(%dma_start3A_857 : memref<2x4x4x64xf32, #tpu.memory_space<hbm>>) target(%dma_start3A_852 : memref<2x4x4x64xf32, #tpu.memory_space<vmem>>) target_semaphore(%arg7 : memref<!tpu.dma_semaphore, #tpu.memory_space<semaphore_mem>>)
      %dma_wait3A_858 = arith.constant 0 : i32
      %dma_wait3A_859 = arith.constant 0 : i32
      %dma_wait3A_860 = arith.constant 0 : i32
      %dma_wait3A_861 = arith.constant 0 : i32
      %dma_wait3A_862 = arith.constant 0 : i32
      %dma_wait3A_863 = tpu.memref_slice %arg4[%dma_wait3A_858, %dma_wait3A_859, %dma_wait3A_860, %dma_wait3A_861, %dma_wait3A_862] : memref<3x40x4x4x64xf32, #tpu.memory_space<vmem>> -> memref<1x2x4x4x64xf32, #tpu.memory_space<vmem>>
      %dma_wait3A_864 = tpu.memref_squeeze %dma_wait3A_863 : memref<1x2x4x4x64xf32, #tpu.memory_space<vmem>> -> memref<2x4x4x64xf32, #tpu.memory_space<vmem>>
      %dma_wait3A_865 = arith.constant 10240 : i32
      %dma_wait3A_866 = arith.constant 0 : i32
      %dma_wait3A_867 = arith.constant 0 : i32
      %dma_wait3A_868 = arith.constant 0 : i32
      %dma_wait3A_869 = tpu.memref_slice %arg2[%dma_wait3A_865, %dma_wait3A_866, %dma_wait3A_867, %dma_wait3A_868] : memref<40962x4x4x64xf32, #tpu.memory_space<hbm>> -> memref<2x4x4x64xf32, #tpu.memory_space<hbm>>
      %dma_wait3A_870 = arith.constant 0 : i32
      %dma_wait3A_871 = arith.constant 0 : i32
      %dma_wait3A_872 = arith.constant 0 : i32
      %dma_wait3A_873 = arith.constant 0 : i32
      %dma_wait3A_874 = tpu.memref_slice %arg4[%dma_wait3A_858, %dma_wait3A_870, %dma_wait3A_871, %dma_wait3A_872, %dma_wait3A_873] : memref<3x40x4x4x64xf32, #tpu.memory_space<vmem>> -> memref<1x2x4x4x64xf32, #tpu.memory_space<vmem>>
      %dma_wait3A_875 = tpu.memref_squeeze %dma_wait3A_874 : memref<1x2x4x4x64xf32, #tpu.memory_space<vmem>> -> memref<2x4x4x64xf32, #tpu.memory_space<vmem>>
      %dma_wait3A_876 = arith.constant 10240 : i32
      %dma_wait3A_877 = arith.constant 0 : i32
      %dma_wait3A_878 = arith.constant 0 : i32
      %dma_wait3A_879 = arith.constant 0 : i32
      %dma_wait3A_880 = tpu.memref_slice %arg2[%dma_wait3A_876, %dma_wait3A_877, %dma_wait3A_878, %dma_wait3A_879] : memref<40962x4x4x64xf32, #tpu.memory_space<hbm>> -> memref<2x4x4x64xf32, #tpu.memory_space<hbm>>
      tpu.wait_dma2 semaphore(%arg7 : memref<!tpu.dma_semaphore, #tpu.memory_space<semaphore_mem>>) src(%dma_wait3A_880 : memref<2x4x4x64xf32, #tpu.memory_space<hbm>>) dst(%dma_wait3A_875 : memref<2x4x4x64xf32, #tpu.memory_space<vmem>>)
      %dma_start3A_881 = arith.constant 0 : i32
      %dma_start3A_882 = arith.constant 0 : i32
      %dma_start3A_883 = arith.constant 0 : i32
      %dma_start3A_884 = arith.constant 0 : i32
      %dma_start3A_885 = arith.constant 0 : i32
      %dma_start3A_886 = tpu.memref_slice %arg4[%dma_start3A_881, %dma_start3A_882, %dma_start3A_883, %dma_start3A_884, %dma_start3A_885] : memref<3x40x4x4x64xf32, #tpu.memory_space<vmem>> -> memref<1x2x4x4x64xf32, #tpu.memory_space<vmem>>
      %dma_start3A_887 = tpu.memref_squeeze %dma_start3A_886 : memref<1x2x4x4x64xf32, #tpu.memory_space<vmem>> -> memref<2x4x4x64xf32, #tpu.memory_space<vmem>>
      %dma_start3A_888 = arith.constant 10240 : i32
      %dma_start3A_889 = arith.constant 0 : i32
      %dma_start3A_890 = arith.constant 0 : i32
      %dma_start3A_891 = arith.constant 0 : i32
      %dma_start3A_892 = tpu.memref_slice %arg3[%dma_start3A_888, %dma_start3A_889, %dma_start3A_890, %dma_start3A_891] : memref<10242x4x4x64xf32, #tpu.memory_space<hbm>> -> memref<2x4x4x64xf32, #tpu.memory_space<hbm>>
      %dma_start3A_893 = arith.constant 10240 : i32
      %dma_start3A_894 = arith.constant 0 : i32
      %dma_start3A_895 = arith.constant 0 : i32
      %dma_start3A_896 = arith.constant 0 : i32
      %dma_start3A_897 = tpu.memref_slice %arg3[%dma_start3A_893, %dma_start3A_894, %dma_start3A_895, %dma_start3A_896] : memref<10242x4x4x64xf32, #tpu.memory_space<hbm>> -> memref<2x4x4x64xf32, #tpu.memory_space<hbm>>
      %dma_start3A_898 = arith.constant 0 : i32
      %dma_start3A_899 = arith.constant 0 : i32
      %dma_start3A_900 = arith.constant 0 : i32
      %dma_start3A_901 = arith.constant 0 : i32
      %dma_start3A_902 = tpu.memref_slice %arg4[%dma_start3A_881, %dma_start3A_898, %dma_start3A_899, %dma_start3A_900, %dma_start3A_901] : memref<3x40x4x4x64xf32, #tpu.memory_space<vmem>> -> memref<1x2x4x4x64xf32, #tpu.memory_space<vmem>>
      %dma_start3A_903 = tpu.memref_squeeze %dma_start3A_902 : memref<1x2x4x4x64xf32, #tpu.memory_space<vmem>> -> memref<2x4x4x64xf32, #tpu.memory_space<vmem>>
      tpu.enqueue_dma source(%dma_start3A_903 : memref<2x4x4x64xf32, #tpu.memory_space<vmem>>) target(%dma_start3A_897 : memref<2x4x4x64xf32, #tpu.memory_space<hbm>>) target_semaphore(%arg7 : memref<!tpu.dma_semaphore, #tpu.memory_space<semaphore_mem>>)
      %dma_wait3A_904 = arith.constant 0 : i32
      %dma_wait3A_905 = arith.constant 0 : i32
      %dma_wait3A_906 = arith.constant 0 : i32
      %dma_wait3A_907 = arith.constant 0 : i32
      %dma_wait3A_908 = arith.constant 0 : i32
      %dma_wait3A_909 = tpu.memref_slice %arg4[%dma_wait3A_904, %dma_wait3A_905, %dma_wait3A_906, %dma_wait3A_907, %dma_wait3A_908] : memref<3x40x4x4x64xf32, #tpu.memory_space<vmem>> -> memref<1x2x4x4x64xf32, #tpu.memory_space<vmem>>
      %dma_wait3A_910 = tpu.memref_squeeze %dma_wait3A_909 : memref<1x2x4x4x64xf32, #tpu.memory_space<vmem>> -> memref<2x4x4x64xf32, #tpu.memory_space<vmem>>
      %dma_wait3A_911 = arith.constant 10240 : i32
      %dma_wait3A_912 = arith.constant 0 : i32
      %dma_wait3A_913 = arith.constant 0 : i32
      %dma_wait3A_914 = arith.constant 0 : i32
      %dma_wait3A_915 = tpu.memref_slice %arg3[%dma_wait3A_911, %dma_wait3A_912, %dma_wait3A_913, %dma_wait3A_914] : memref<10242x4x4x64xf32, #tpu.memory_space<hbm>> -> memref<2x4x4x64xf32, #tpu.memory_space<hbm>>
      %dma_wait3A_916 = arith.constant 10240 : i32
      %dma_wait3A_917 = arith.constant 0 : i32
      %dma_wait3A_918 = arith.constant 0 : i32
      %dma_wait3A_919 = arith.constant 0 : i32
      %dma_wait3A_920 = tpu.memref_slice %arg3[%dma_wait3A_916, %dma_wait3A_917, %dma_wait3A_918, %dma_wait3A_919] : memref<10242x4x4x64xf32, #tpu.memory_space<hbm>> -> memref<2x4x4x64xf32, #tpu.memory_space<hbm>>
      %dma_wait3A_921 = arith.constant 0 : i32
      %dma_wait3A_922 = arith.constant 0 : i32
      %dma_wait3A_923 = arith.constant 0 : i32
      %dma_wait3A_924 = arith.constant 0 : i32
      %dma_wait3A_925 = tpu.memref_slice %arg4[%dma_wait3A_904, %dma_wait3A_921, %dma_wait3A_922, %dma_wait3A_923, %dma_wait3A_924] : memref<3x40x4x4x64xf32, #tpu.memory_space<vmem>> -> memref<1x2x4x4x64xf32, #tpu.memory_space<vmem>>
      %dma_wait3A_926 = tpu.memref_squeeze %dma_wait3A_925 : memref<1x2x4x4x64xf32, #tpu.memory_space<vmem>> -> memref<2x4x4x64xf32, #tpu.memory_space<vmem>>
      tpu.wait_dma2 semaphore(%arg7 : memref<!tpu.dma_semaphore, #tpu.memory_space<semaphore_mem>>) src(%dma_wait3A_926 : memref<2x4x4x64xf32, #tpu.memory_space<vmem>>) dst(%dma_wait3A_920 : memref<2x4x4x64xf32, #tpu.memory_space<hbm>>)
    } else {
    }
    return
  }
}

</mosaic_0001>

<sc_bundles>
// kernel: kernel.3.cloned.1.call-start
scs
__scs_entry_jumppad:
0x0: {  	(pc) =	sbr.rel $0x88, $3  }
0x1: {  	(tag) =	ssettag $0x0;
	lr =	simm.s32 $0x1  }
0x2: {  	[smem:$0x3FA0] =	sst lr;
	_ =	strace $0xD0000000  }
0x3: {  	_ = 	snop  }
0x4: {  	_ = 	snop  }
0x5: {  	_ = 	snop  }
0x6: {  	_ = 	snop  }
0x7: {  	_ = 	snop  }
__scs_overlays_trampoline_lowered:
0x8: {  	[smem:$0x3FAF] =	sst s0  }
0x9: {  	[smem:$0x3FB0] =	sst s1  }
0xa: {  	[smem:$0x3FB1] =	sst s2  }
0xb: {  	[smem:$0x3FB2] =	sst s3  }
0xc: {  	[smem:$0x3FB3] =	sst s4  }
0xd: {  	[smem:$0x3FB4] =	sst s5  }
0xe: {  	[smem:$0x3FB5] =	sst s6  }
0xf: {  	[smem:$0x3FB6] =	sst s7  }
0x10: {  	[smem:$0x3FB7] =	sst s8  }
0x11: {  	[smem:$0x3FB8] =	sst s9;
	s0 =	simm.s32 @!p0 $0x0  }
0x12: {  	s1 =	sld [smem:$0x3F9E];
	s0 =	simm.s32 @p0 $0x1  }
0x13: {  	[smem:$0x3FB9] =	sst s0;
	s0 =	simm.s32 @!p1 $0x0  }
0x14: {  	s2 =	sld [smem:$0x3F9D];
	s0 =	simm.s32 @p1 $0x1  }
0x15: {  	[smem:$0x3FBA] =	sst s0;
	s0 =	simm.s32 @!p2 $0x0  }
0x16: {  	s3 =	sld [smem:$0x3FDB];
	s0 =	simm.s32 @p2 $0x1  }
0x17: {  	s4 =	simm.s32 $0x1BF5;
	[smem:$0x3FBC] =	sst s0  }
0x18: {  	s0 =	sld [smem:$0x3F9F];
	_ =	swait.ge [sflag:s4], $0x0  }
0x19: {  	s7 =	sld [smem:$0x3FA0]  }
0x1a: {  	s8 =	sadd.s32 $0xFFFFE003, lr  }
0x1b: {  	s9 =	sadd.s32 $0xFFFFFEF7, lr;
	s5 =	simm.s32 $0xFFFFFFFF;
	p2 =	slt.u32 s8, $0xFFFFF086  }
0x1c: {  	p1 =	slt.u32 s9, $0xF7A;
	s5 =	simm.s32 @!p2 $0x0  }
0x1d: {  	s5 =	simm.s32 @p1 $0x1;
	p0 =	seq.s32 s7, s2  }
0x1e: {  	s7 =	smul.u32 @!p0 $0xF7A, s2;
	p2 =	seq.s32 @!p0 s5, $0x0  }
0x1f: {  	s9 =	smul.u32 $0xF7A, s1;
	s8 =	simm.s32 @!p0 $0x1BF5;
	p2 =	por !p2, p0  }
0x20: {  	[sflag:s8] =	ssyncset.s32 @!p0 $0xFFFFF086;
	s6 =	sadd.s32 @!p0 s3, s7;
	s7 =	simm.s32 @!p0 $0x108  }
0x21: {  	s3 =	sadd.s32 s3, s9;
	s6 =	sadd.s32 @!p0 $0x88, s6;
	s7 =	simm.s32 @p2 $0x1082  }
0x22: {  	[simem:s7], [sflag:s8] =	dma.local @!p0 [hbm:s6], $0xF7A  }
0x23: {  	s9 =	sor.u32 $0xD0000000, s2;
	s6 =	simm.s32 $0x108;
	_ =	swait.ge @!p0 [sflag:s8], $0x0  }
0x24: {  	s3 =	sadd.s32 $0x88, s3;
	s6 =	simm.s32 @!p1 $0x1082;
	[sflag:s4] =	ssyncset.s32 $0xFFFFF086  }
0x25: {  	[simem:s6], [sflag:s4] =	dma.local [hbm:s3], $0xF7A  }
0x26: {  	[smem:$0x3FA0] =	sst s1;
	(tag) =	ssettag s2;
	_ =	strace s9  }
0x27: {  	s1 =	sld [smem:$0x3FB0]  }
0x28: {  	s2 =	sld [smem:$0x3FB1]  }
0x29: {  	s4 =	sld [smem:$0x3FB3]  }
0x2a: {  	p0 =	seq.s32 s5, $0x0;
	s5 =	sld [smem:$0x3FB4]  }
0x2b: {  	s6 =	sld [smem:$0x3FB5]  }
0x2c: {  	s7 =	sld [smem:$0x3FB6]  }
0x2d: {  	s3 =	simm.s32 $0x108;
	s8 =	sld [smem:$0x3FB7]  }
0x2e: {  	s3 =	simm.s32 @!p0 $0x1082;
	s9 =	sld [smem:$0x3FB8]  }
0x2f: {  	lr =	sadd.s32 s0, s3;
	s0 =	sld [smem:$0x3FAF]  }
0x30: {  	s3 =	sld [smem:$0x3FB2]  }
0x31: {  	[smem:$0x3FBB] =	sst s10  }
0x32: {  	s10 =	sld [smem:$0x3FB9];
	_ =	sdelay $0x3  }
0x33: {  	p0 =	seq.s32 s10, $0x1;
	s10 =	sld [smem:$0x3FBB];
	_ =	sdelay $0x3  }
0x34: {  	[smem:$0x3FBB] =	sst s10  }
0x35: {  	s10 =	sld [smem:$0x3FBA];
	_ =	sdelay $0x3  }
0x36: {  	p1 =	seq.s32 s10, $0x1;
	s10 =	sld [smem:$0x3FBB];
	_ =	sdelay $0x3  }
0x37: {  	[smem:$0x3FBB] =	sst s10  }
0x38: {  	s10 =	sld [smem:$0x3FBC]  }
0x39: {  	_ = 	snop;
	(pc) =	sbr.ind lr, $3  }
0x3a: {  	_ = 	snop  }
0x3b: {  	_ = 	snop  }
0x3c: {  	p2 =	seq.s32 s10, $0x1;
	s10 =	sld [smem:$0x3FBB]  }
0x3d: {  	_ =	shalt  }
0x3e: {  	_ =	shalt  }
0x3f: {  	_ =	shalt  }
0x40: {  	_ =	shalt  }
0x41: {  	_ =	shalt  }
0x42: {  	_ =	shalt  }
0x43: {  	_ =	shalt  }
0x44: {  	_ =	shalt  }
0x45: {  	_ =	shalt  }
0x46: {  	_ =	shalt  }
0x47: {  	_ =	shalt  }
0x48: {  	_ =	shalt  }
0x49: {  	_ =	shalt  }
0x4a: {  	_ =	shalt  }
0x4b: {  	_ =	shalt  }
0x4c: {  	_ =	shalt  }
0x4d: {  	_ =	shalt  }
0x4e: {  	_ =	shalt  }
0x4f: {  	_ =	shalt  }
0x50: {  	_ =	shalt  }
0x51: {  	_ =	shalt  }
0x52: {  	_ =	shalt  }
0x53: {  	_ =	shalt  }
0x54: {  	_ =	shalt  }
0x55: {  	_ =	shalt  }
0x56: {  	_ =	shalt  }
0x57: {  	_ =	shalt  }
0x58: {  	_ =	shalt  }
0x59: {  	_ =	shalt  }
0x5a: {  	_ =	shalt  }
0x5b: {  	_ =	shalt  }
0x5c: {  	_ =	shalt  }
0x5d: {  	_ =	shalt  }
0x5e: {  	_ =	shalt  }
0x5f: {  	_ =	shalt  }
0x60: {  	_ =	shalt  }
0x61: {  	_ =	shalt  }
0x62: {  	_ =	shalt  }
0x63: {  	_ =	shalt  }
0x64: {  	_ =	shalt  }
0x65: {  	_ =	shalt  }
0x66: {  	_ =	shalt  }
0x67: {  	_ =	shalt  }
0x68: {  	_ =	shalt  }
0x69: {  	_ =	shalt  }
0x6a: {  	_ =	shalt  }
0x6b: {  	_ =	shalt  }
0x6c: {  	_ =	shalt  }
0x6d: {  	_ =	shalt  }
0x6e: {  	_ =	shalt  }
0x6f: {  	_ =	shalt  }
0x70: {  	_ =	shalt  }
0x71: {  	_ =	shalt  }
0x72: {  	_ =	shalt  }
0x73: {  	_ =	shalt  }
0x74: {  	_ =	shalt  }
0x75: {  	_ =	shalt  }
0x76: {  	_ =	shalt  }
0x77: {  	_ =	shalt  }
0x78: {  	_ =	shalt  }
0x79: {  	_ =	shalt  }
0x7a: {  	_ =	shalt  }
0x7b: {  	_ =	shalt  }
0x7c: {  	_ =	shalt  }
0x7d: {  	_ =	shalt  }
0x7e: {  	_ =	shalt  }
0x7f: {  	_ =	shalt  }
0x80: {  	_ =	shalt  }
0x81: {  	_ =	shalt  }
0x82: {  	_ =	shalt  }
0x83: {  	_ =	shalt  }
0x84: {  	_ =	shalt  }
0x85: {  	_ =	shalt  }
0x86: {  	_ =	shalt  }
0x87: {  	_ =	shalt  }
.Lfunc_end0:
.L_simem_size_0:
called_computation.1_lowered:
.L_overlay_start_0:
0x88: {  	s2 =	sld [smem:$0x3FD9]  }
0x89: {  	s3 =	sld [smem:$0x3FFE];
	_ =	sdelay $0x1  }
0x8a: {  	s1 =	srdreg.scid  }
0x8b: {  	s0 =	sand.u32 $0x1, s1  }
0x8c: {  	s17 =	sshll.u32 s0, $0xA;
	s2 =	sadd.s32 s3, s2  }
0x8d: {  	s2 =	sadd.s32 s2, s17  }
0x8e: {  	[smem:$0x3FC7] =	sst s2  }
0x8f: {  	_ = 	snop  }
0x90: {  	s2 =	sld [smem:$0x3FD0];
	(tm) =	ssettm $0x1  }
0x91: {  	s18 =	sld [smem:$0x3FFB];
	_ =	sdelay $0x3  }
0x92: {  	_ =	strace s18  }
0x93: {  	s3 =	sld [smem:$0x3FFC];
	_ =	sdelay $0x3  }
0x94: {  	_ =	strace s3  }
0x95: {  	s3 =	sld [smem:$0x3FFD];
	_ =	sdelay $0x3  }
0x96: {  	_ =	strace s3  }
0x97: {  	_ =	strace $0x8FFFFFFF  }
0x98: {  	s19 =	sld [smem:$0x3FDB];
	_ =	sdelay $0x1  }
0x99: {  	s4 =	simm.s32 $_scs_section_size  }
0x9a: {  	s5 =	simm.s32 $_size__tile_overlayer_lowered;
	s6 =	simm.s32 $_tile_overlayer_lowered  }
0x9b: {  	s22 =	simm.s32 $0x1BFF;
	s21 =	sshll.u32 s6, $0x1;
	s3 =	sadd.s32 s4, s19  }
0x9c: {  	s7 =	simm.s32 $0x0;
	s20 =	sshll.u32 s5, $0x1;
	s5 =	sadd.s32 s21, s3  }
0x9d: {  	[timem:s7], [sflag:s22] =	dma.local [hbm:s5], s20  }
0x9e: {  	_ =	swait.ge [sflag:s22], s20  }
0x9f: {  	s4 =	ssub.s32 $0x0, s20;
	[sflag:s22] =	ssyncset.done $0x0  }
0xa0: {  	[sflag:s22] =	ssyncadd.s32 s4;
	_ =	sdelay $0x1  }
0xa1: {  	s23 =	simm.s32 $0x1B8B  }
0xa2: {  	_ =	swait.ge [sflag:s23], $0x1  }
0xa3: {  	[sflag:s23] =	ssyncset.done $0x0  }
0xa4: {  	s25 =	simm.s32 $0x1B8E;
	s24 =	sld [smem:$0x3FFE];
	[sflag:s23] =	ssyncadd.s32 $0xFFFFFFFF  }
0xa5: {  	s26 =	simm.s32 $execute0_lowered;
	[smem:$0x3FD2] =	sst s25  }
0xa6: {  	s5 =	sshll.u32 s26, $0x1;
	_ =	strace $0x80000046;
	[dreg:$0x1] =	wrdreg $0xFFFFFFFF  }
0xa7: {  	s28 =	simm.s32 $_size_execute0_lowered;
	s3 =	sadd.s32 s3, s5;
	[dreg:$0x0] =	wrdreg $0x0  }
0xa8: {  	s5 =	sshll.u32 s28, $0x1;
	[dreg:$0x2] =	wrdreg s3  }
0xa9: {  	[dreg:$0x3] =	wrdreg s5  }
0xaa: {  	[dreg:$0x4] =	wrdreg $0xC0  }
0xab: {  	_ =	task [dreg:s7], $0x5FFFF  }
0xac: {  	[dreg:$0x1] =	wrdreg $0xFFFFFFFF  }
0xad: {  	[dreg:$0x0] =	wrdreg $0x60  }
0xae: {  	[dreg:$0x2] =	wrdreg s24  }
0xaf: {  	[dreg:$0x3] =	wrdreg s2  }
0xb0: {  	[dreg:$0x4] =	wrdreg $0x9  }
0xb1: {  	_ =	task.clear_ibuf [dreg:s7], $0x5FFFF;
	_ =	strace $0x90000046  }
0xb2: {  	s29 =	simm.s32 $0x9;
	_ =	strace $0x80000048  }
0xb3: {  	_ =	swait.ge [sflag:s29], $0x1  }
0xb4: {  	[sflag:s29] =	ssyncadd.s32 $0xFFFFFFFF  }
0xb5: {  	_ =	strace $0x90000048  }
0xb6: {  	_ =	sfence  }
0xb7: {  	s30 =	sld [smem:$0x0];
	_ =	sdelay $0x2  }
0xb8: {  	s31 =	sshll.u32 s1, $0xD;
	s1 =	sshrl.u32 s1, $0x2  }
0xb9: {  	s3 =	sand.u32 $0x4000, s31;
	s1 =	sadd.s32 s1, s30  }
0xba: {  	s0 =	sor.u32 s3, s0;
	s1 =	sshll.u32 s1, $0x11  }
0xbb: {  	s0 =	sor.u32 s1, s0  }
0xbc: {  	s0 =	sadd.s32 $0x8F2B, s0  }
0xbd: {  	[sflag:s0] =	ssyncadd.remote.s32 $0x1  }
0xbe: {  	_ =	sfence.sel $0xFFFF  }
0xbf: {  	[dreg:$0x0] =	wrdreg $0xFFFFFFFF;
	(pc) =	sbr.abs _section_cstart, $3  }
0xc0: {  	[dreg:$0x1] =	wrdreg $0xFFFFFFFF  }
0xc1: {  	_ =	task.clear_ibuf [dreg:s7], $0x2FFFF;
	_ =	strace $0x9FFFFFFF  }
0xc2: {  	(tm) =	ssettm $0x7FFFFFFF  }
0xc3: {  	_ =	shalt  }
tec
execute0_lowered:
.L_overlay_start_1:
0x0: {  	(tag) =	ssettag $0x1  }
0x1: {  	s1 =	srdreg.scid;
	s0 =	stileid.u32  }
0x2: {  	s28 =	sand.u32 $0x1, s1;
	s25 =	sshll.u32 s0, $0x1  }
0x3: {  	s29 =	sor.u32 s28, s25  }
0x4: {  	s26 =	rddreg [dreg:$0x0];
	s6 =	smul.u32 $0xA000, s29  }
0x5: {  	s30 =	rddreg [dreg:$0x1];
	s2 =	simm.s32 $0x0;
	s23 =	sadd.s32 $0xA00A00, s26  }
0x6: {  	[smem:$0x7FF] =	sst s2;
	s3 =	sadd.s32 s23, s6  }
0x7: {  	_ =	strace $0x80000047;
	[dreg:$0x3] =	wrdreg s3  }
0x8: {  	s5 =	simm.s32 $0x1;
	s10 =	sor.u32 $0x1400, s6;
	s4 =	rddreg [dreg:$0x3]  }
0x9: {  	[tilespmem:s2], [sflag:$0x1] =	stream.linear.gather [hbm4b:s4+s2], $0xA000, $0x38;
	[tilespmem:$0x1E000] =	vst v63  }
0xa: {  	s7 =	smul.u32 $0x50000, s29;
	s3 =	sadd.s32 s23, s10;
	s4 =	simm.s32 $0xA000  }
0xb: {  	[tilespmem:s4], [sflag:$0x2] =	stream.linear.gather [hbm4b:s3+s2], $0xA000, $0x38;
	[tilespmem:$0x1E000] =	vst v63  }
0xc: {  	_ =	swait.ge [sflag:s5], $0xA000  }
0xd: {  	s24 =	sshrl.u32 s7, $0x3;
	[sflag:s5] =	ssyncset.done $0x0  }
0xe: {  	s6 =	sadd.s32 s30, s6;
	s14 =	sadd.s32 $0x2800, s24;
	[sflag:s5] =	ssyncadd.s32 $0xFFFF6000  }
0xf: {  	[hbm4b:s6+s2] =	stream.linear.scatter [tilespmem:s2], [sflag:$0x4], $0xA000, $0x38;
	[tilespmem:$0x1E000] =	vst v63  }
0x10: {  	s8 =	simm.s32 $0x14000;
	s9 =	simm.s32 $0x2;
	s7 =	sadd.s32 s23, s14  }
0x11: {  	[tilespmem:s8], [sflag:$0x3] =	stream.linear.gather [hbm4b:s7+s2], $0xA000, $0x38;
	[tilespmem:$0x1E000] =	vst v63  }
0x12: {  	_ =	swait.ge [sflag:s9], $0xA000  }
0x13: {  	[sflag:s9] =	ssyncset.done $0x0  }
0x14: {  	s11 =	simm.s32 $0x4;
	s10 =	sadd.s32 s30, s10;
	[sflag:s9] =	ssyncadd.s32 $0xFFFF6000  }
0x15: {  	[hbm4b:s10+s2] =	stream.linear.scatter [tilespmem:s4], [sflag:$0x5], $0xA000, $0x38;
	[tilespmem:$0x1E000] =	vst v63  }
0x16: {  	_ =	swait.ge [sflag:s11], $0xA000  }
0x17: {  	s17 =	sadd.s32 $0x3C00, s24;
	[sflag:s11] =	ssyncset.done $0x0  }
0x18: {  	s13 =	simm.s32 $0x3;
	s12 =	sadd.s32 s23, s17;
	[sflag:s11] =	ssyncadd.s32 $0xFFFF6000  }
0x19: {  	[tilespmem:s2], [sflag:$0x1] =	stream.linear.gather [hbm4b:s12+s2], $0xA000, $0x38;
	[tilespmem:$0x1E000] =	vst v63  }
0x1a: {  	_ =	swait.ge [sflag:s13], $0xA000  }
0x1b: {  	[sflag:s13] =	ssyncset.done $0x0  }
0x1c: {  	s15 =	simm.s32 $0x5;
	s14 =	sadd.s32 s30, s14;
	[sflag:s13] =	ssyncadd.s32 $0xFFFF6000  }
0x1d: {  	[hbm4b:s14+s2] =	stream.linear.scatter [tilespmem:s8], [sflag:$0x6], $0xA000, $0x38;
	[tilespmem:$0x1E000] =	vst v63  }
0x1e: {  	_ =	swait.ge [sflag:s15], $0xA000  }
0x1f: {  	s20 =	sadd.s32 $0x5000, s24;
	[sflag:s15] =	ssyncset.done $0x0  }
0x20: {  	s16 =	sadd.s32 s23, s20;
	[sflag:s15] =	ssyncadd.s32 $0xFFFF6000  }
0x21: {  	[tilespmem:s4], [sflag:$0x2] =	stream.linear.gather [hbm4b:s16+s2], $0xA000, $0x38;
	[tilespmem:$0x1E000] =	vst v63  }
0x22: {  	_ =	swait.ge [sflag:s5], $0xA000  }
0x23: {  	[sflag:s5] =	ssyncset.done $0x0  }
0x24: {  	s18 =	simm.s32 $0x6;
	s17 =	sadd.s32 s30, s17;
	[sflag:s5] =	ssyncadd.s32 $0xFFFF6000  }
0x25: {  	[hbm4b:s17+s2] =	stream.linear.scatter [tilespmem:s2], [sflag:$0x4], $0xA000, $0x38;
	[tilespmem:$0x1E000] =	vst v63  }
0x26: {  	_ =	swait.ge [sflag:s18], $0xA000  }
0x27: {  	s22 =	sadd.s32 $0x6400, s24;
	[sflag:s18] =	ssyncset.done $0x0  }
0x28: {  	s19 =	sadd.s32 s23, s22;
	[sflag:s18] =	ssyncadd.s32 $0xFFFF6000  }
0x29: {  	[tilespmem:s8], [sflag:$0x3] =	stream.linear.gather [hbm4b:s19+s2], $0xA000, $0x38;
	[tilespmem:$0x1E000] =	vst v63  }
0x2a: {  	_ =	swait.ge [sflag:s9], $0xA000  }
0x2b: {  	[sflag:s9] =	ssyncset.done $0x0  }
0x2c: {  	s20 =	sadd.s32 s30, s20;
	[sflag:s9] =	ssyncadd.s32 $0xFFFF6000  }
0x2d: {  	[hbm4b:s20+s2] =	stream.linear.scatter [tilespmem:s4], [sflag:$0x5], $0xA000, $0x38;
	[tilespmem:$0x1E000] =	vst v63  }
0x2e: {  	_ =	swait.ge [sflag:s11], $0xA000  }
0x2f: {  	s25 =	sadd.s32 $0x7800, s24;
	[sflag:s11] =	ssyncset.done $0x0  }
0x30: {  	s21 =	sadd.s32 s23, s25;
	[sflag:s11] =	ssyncadd.s32 $0xFFFF6000  }
0x31: {  	[tilespmem:s2], [sflag:$0x1] =	stream.linear.gather [hbm4b:s21+s2], $0xA000, $0x38;
	[tilespmem:$0x1E000] =	vst v63  }
0x32: {  	_ =	swait.ge [sflag:s13], $0xA000  }
0x33: {  	[sflag:s13] =	ssyncset.done $0x0  }
0x34: {  	s22 =	sadd.s32 s30, s22;
	[sflag:s13] =	ssyncadd.s32 $0xFFFF6000  }
0x35: {  	[hbm4b:s22+s2] =	stream.linear.scatter [tilespmem:s8], [sflag:$0x6], $0xA000, $0x38;
	[tilespmem:$0x1E000] =	vst v63  }
0x36: {  	_ =	swait.ge [sflag:s15], $0xA000  }
0x37: {  	s31 =	sadd.s32 $0x8C00, s24;
	[sflag:s15] =	ssyncset.done $0x0  }
0x38: {  	s23 =	sadd.s32 s23, s31;
	[sflag:s15] =	ssyncadd.s32 $0xFFFF6000  }
0x39: {  	[tilespmem:s4], [sflag:$0x2] =	stream.linear.gather [hbm4b:s23+s2], $0xA000, $0x38;
	[tilespmem:$0x1E000] =	vst v63  }
0x3a: {  	_ =	swait.ge [sflag:s5], $0xA000  }
0x3b: {  	[sflag:s5] =	ssyncset.done $0x0  }
0x3c: {  	s24 =	sadd.s32 s30, s25;
	[sflag:s5] =	ssyncadd.s32 $0xFFFF6000  }
0x3d: {  	[hbm4b:s24+s2] =	stream.linear.scatter [tilespmem:s2], [sflag:$0x4], $0xA000, $0x38;
	[tilespmem:$0x1E000] =	vst v63  }
0x3e: {  	_ =	swait.ge [sflag:s9], $0xA000  }
0x3f: {  	[sflag:s9] =	ssyncset.done $0x0  }
0x40: {  	s25 =	sadd.s32 s30, s31;
	[sflag:s9] =	ssyncadd.s32 $0xFFFF6000  }
0x41: {  	[hbm4b:s25+s2] =	stream.linear.scatter [tilespmem:s4], [sflag:$0x5], $0xA000, $0x38;
	[tilespmem:$0x1E000] =	vst v63  }
0x42: {  	_ =	swait.ge [sflag:s18], $0xA000  }
0x43: {  	[sflag:s18] =	ssyncset.done $0x0  }
0x44: {  	[sflag:s18] =	ssyncadd.s32 $0xFFFF6000  }
0x45: {  	s31 =	ssub.s32 $0x2, s28;
	_ =	swait.ge [sflag:s11], $0xA000  }
0x46: {  	s1 =	sshrl.u32 s31, $0x1;
	[sflag:s11] =	ssyncset.done $0x0  }
0x47: {  	p0 =	sne.s32 s29, $0x0;
	s1 =	ssub.s32 s31, s1;
	[sflag:s11] =	ssyncadd.s32 $0xFFFF6000  }
0x48: {  	s29 =	simm.s32 @!p0 $0x0;
	s1 =	smax.u32 s1, $0x1;
	_ =	swait.ge [sflag:s15], $0xA000  }
0x49: {  	s28 =	sadd.s32 $0xB40A00, s26;
	s31 =	sadd.s32 $0xFFFFFFFF, s1;
	[sflag:s15] =	ssyncset.done $0x0  }
0x4a: {  	s26 =	simm.s32 @!p0 $0x7;
	p1 =	sne.s32 s31, $0x0;
	[sflag:s15] =	ssyncadd.s32 $0xFFFF6000  }
0x4b: {  	[tilespmem:s29], [sflag:$0x7] =	stream.linear.gather @!p0 [hbm4b:s28+s29], $0x800, $0x38;
	[tilespmem:$0x1E000] =	vst v63  }
.Ltmp0:
0x4c: {  	_ =	swait.ge @!p0 [sflag:s26], $0x800;
	(pc) =	sbr.rel @!p1 .LBB2_2-.Ltmp0, $4  }
0x4d: {  	[sflag:s26] =	ssyncset.done @!p0 $0x0  }
0x4e: {  	s30 =	sadd.s32 $0x140000, s30;
	[sflag:s26] =	ssyncadd.s32 @!p0 $0xFFFFF800  }
0x4f: {  	[hbm4b:s30+s29] =	stream.linear.scatter @!p0 [tilespmem:s29], [sflag:$0x7], $0x800, $0x38;
	[tilespmem:$0x1E000] =	vst v63  }
0x50: {  	_ =	swait.ge @!p0 [sflag:s26], $0x800  }
.LBB2_1:
0x51: {  	[sflag:s26] =	ssyncset.done @!p0 $0x0  }
0x52: {  	s1 =	rddreg [dreg:$0x3];
	[sflag:s26] =	ssyncadd.s32 @!p0 $0xFFFFF800  }
0x53: {  	[tilespmem:s2], [sflag:$0x1] =	stream.linear.gather [hbm4b:s1+s2], $0xA000, $0x38;
	[tilespmem:$0x1E000] =	vst v63  }
0x54: {  	_ = 	snop  }
0x55: {  	[tilespmem:s4], [sflag:$0x2] =	stream.linear.gather [hbm4b:s3+s2], $0xA000, $0x38;
	[tilespmem:$0x1E000] =	vst v63  }
0x56: {  	_ =	swait.ge [sflag:s5], $0xA000  }
0x57: {  	[sflag:s5] =	ssyncset.done $0x0  }
0x58: {  	[sflag:s5] =	ssyncadd.s32 $0xFFFF6000  }
0x59: {  	[hbm4b:s6+s2] =	stream.linear.scatter [tilespmem:s2], [sflag:$0x4], $0xA000, $0x38;
	[tilespmem:$0x1E000] =	vst v63  }
0x5a: {  	_ = 	snop  }
0x5b: {  	[tilespmem:s8], [sflag:$0x3] =	stream.linear.gather [hbm4b:s7+s2], $0xA000, $0x38;
	[tilespmem:$0x1E000] =	vst v63  }
0x5c: {  	_ =	swait.ge [sflag:s9], $0xA000  }
0x5d: {  	[sflag:s9] =	ssyncset.done $0x0  }
0x5e: {  	[sflag:s9] =	ssyncadd.s32 $0xFFFF6000  }
0x5f: {  	[hbm4b:s10+s2] =	stream.linear.scatter [tilespmem:s4], [sflag:$0x5], $0xA000, $0x38;
	[tilespmem:$0x1E000] =	vst v63  }
0x60: {  	_ =	swait.ge [sflag:s11], $0xA000  }
0x61: {  	[sflag:s11] =	ssyncset.done $0x0  }
0x62: {  	[sflag:s11] =	ssyncadd.s32 $0xFFFF6000  }
0x63: {  	[tilespmem:s2], [sflag:$0x1] =	stream.linear.gather [hbm4b:s12+s2], $0xA000, $0x38;
	[tilespmem:$0x1E000] =	vst v63  }
0x64: {  	_ =	swait.ge [sflag:s13], $0xA000  }
0x65: {  	[sflag:s13] =	ssyncset.done $0x0  }
0x66: {  	[sflag:s13] =	ssyncadd.s32 $0xFFFF6000  }
0x67: {  	[hbm4b:s14+s2] =	stream.linear.scatter [tilespmem:s8], [sflag:$0x6], $0xA000, $0x38;
	[tilespmem:$0x1E000] =	vst v63  }
0x68: {  	_ =	swait.ge [sflag:s15], $0xA000  }
0x69: {  	[sflag:s15] =	ssyncset.done $0x0  }
0x6a: {  	[sflag:s15] =	ssyncadd.s32 $0xFFFF6000  }
0x6b: {  	[tilespmem:s4], [sflag:$0x2] =	stream.linear.gather [hbm4b:s16+s2], $0xA000, $0x38;
	[tilespmem:$0x1E000] =	vst v63  }
0x6c: {  	_ =	swait.ge [sflag:s5], $0xA000  }
0x6d: {  	[sflag:s5] =	ssyncset.done $0x0  }
0x6e: {  	[sflag:s5] =	ssyncadd.s32 $0xFFFF6000  }
0x6f: {  	[hbm4b:s17+s2] =	stream.linear.scatter [tilespmem:s2], [sflag:$0x4], $0xA000, $0x38;
	[tilespmem:$0x1E000] =	vst v63  }
0x70: {  	_ =	swait.ge [sflag:s18], $0xA000  }
0x71: {  	[sflag:s18] =	ssyncset.done $0x0  }
0x72: {  	[sflag:s18] =	ssyncadd.s32 $0xFFFF6000  }
0x73: {  	[tilespmem:s8], [sflag:$0x3] =	stream.linear.gather [hbm4b:s19+s2], $0xA000, $0x38;
	[tilespmem:$0x1E000] =	vst v63  }
0x74: {  	_ =	swait.ge [sflag:s9], $0xA000  }
0x75: {  	[sflag:s9] =	ssyncset.done $0x0  }
0x76: {  	[sflag:s9] =	ssyncadd.s32 $0xFFFF6000  }
0x77: {  	[hbm4b:s20+s2] =	stream.linear.scatter [tilespmem:s4], [sflag:$0x5], $0xA000, $0x38;
	[tilespmem:$0x1E000] =	vst v63  }
0x78: {  	_ =	swait.ge [sflag:s11], $0xA000  }
0x79: {  	[sflag:s11] =	ssyncset.done $0x0  }
0x7a: {  	[sflag:s11] =	ssyncadd.s32 $0xFFFF6000  }
0x7b: {  	[tilespmem:s2], [sflag:$0x1] =	stream.linear.gather [hbm4b:s21+s2], $0xA000, $0x38;
	[tilespmem:$0x1E000] =	vst v63  }
0x7c: {  	_ =	swait.ge [sflag:s13], $0xA000  }
0x7d: {  	[sflag:s13] =	ssyncset.done $0x0  }
0x7e: {  	[sflag:s13] =	ssyncadd.s32 $0xFFFF6000  }
0x7f: {  	[hbm4b:s22+s2] =	stream.linear.scatter [tilespmem:s8], [sflag:$0x6], $0xA000, $0x38;
	[tilespmem:$0x1E000] =	vst v63  }
0x80: {  	_ =	swait.ge [sflag:s15], $0xA000  }
0x81: {  	[sflag:s15] =	ssyncset.done $0x0  }
0x82: {  	[sflag:s15] =	ssyncadd.s32 $0xFFFF6000  }
0x83: {  	[tilespmem:s4], [sflag:$0x2] =	stream.linear.gather [hbm4b:s23+s2], $0xA000, $0x38;
	[tilespmem:$0x1E000] =	vst v63  }
0x84: {  	_ =	swait.ge [sflag:s5], $0xA000  }
0x85: {  	[sflag:s5] =	ssyncset.done $0x0  }
0x86: {  	[sflag:s5] =	ssyncadd.s32 $0xFFFF6000  }
0x87: {  	[hbm4b:s24+s2] =	stream.linear.scatter [tilespmem:s2], [sflag:$0x4], $0xA000, $0x38;
	[tilespmem:$0x1E000] =	vst v63  }
0x88: {  	_ =	swait.ge [sflag:s9], $0xA000  }
0x89: {  	[sflag:s9] =	ssyncset.done $0x0  }
0x8a: {  	[sflag:s9] =	ssyncadd.s32 $0xFFFF6000  }
0x8b: {  	[hbm4b:s25+s2] =	stream.linear.scatter [tilespmem:s4], [sflag:$0x5], $0xA000, $0x38;
	[tilespmem:$0x1E000] =	vst v63  }
0x8c: {  	_ =	swait.ge [sflag:s18], $0xA000  }
0x8d: {  	[sflag:s18] =	ssyncset.done $0x0  }
0x8e: {  	[sflag:s18] =	ssyncadd.s32 $0xFFFF6000  }
0x8f: {  	_ =	swait.ge [sflag:s11], $0xA000  }
0x90: {  	[sflag:s11] =	ssyncset.done $0x0  }
0x91: {  	[sflag:s11] =	ssyncadd.s32 $0xFFFF6000  }
0x92: {  	_ =	swait.ge [sflag:s15], $0xA000  }
0x93: {  	s31 =	sadd.s32 $0xFFFFFFFF, s31;
	[sflag:s15] =	ssyncset.done $0x0  }
0x94: {  	p1 =	sne.s32 s31, $0x0;
	[sflag:s15] =	ssyncadd.s32 $0xFFFF6000  }
0x95: {  	[tilespmem:s29], [sflag:$0x7] =	stream.linear.gather @!p0 [hbm4b:s28+s29], $0x800, $0x38;
	[tilespmem:$0x1E000] =	vst v63  }
.Ltmp1:
0x96: {  	_ =	swait.ge @!p0 [sflag:s26], $0x800;
	(pc) =	sbr.rel @p1 .LBB2_1-.Ltmp1, $4  }
0x97: {  	[sflag:s26] =	ssyncset.done @!p0 $0x0  }
0x98: {  	[sflag:s26] =	ssyncadd.s32 @!p0 $0xFFFFF800  }
0x99: {  	[hbm4b:s30+s29] =	stream.linear.scatter @!p0 [tilespmem:s29], [sflag:$0x7], $0x800, $0x38;
	[tilespmem:$0x1E000] =	vst v63  }
0x9a: {  	_ =	swait.ge @!p0 [sflag:s26], $0x800  }
.LBB2_2:
0x9b: {  	[sflag:s26] =	ssyncset.done @!p0 $0x0  }
0x9c: {  	[sflag:s26] =	ssyncadd.s32 @!p0 $0xFFFFF800  }
0x9d: {  	_ =	sfence.sel $0x180000  }
0x9e: {  	[bflag:$0x0] =	sbarrier.arrive $0xFFFF  }
0x9f: {  	_ =	strace $0x90000047  }
0xa0: {  	[bflag:$0x2] =	sbarrier.arrive $0xFFFF  }
0xa1: {  	p0 =	sne.s32 s0, $0x0;
	s0 =	rddreg [dreg:$0x2]  }
0xa2: {  	s0 =	sadd.s32 @!p0 $0x100000, s0  }
0xa3: {  	[sflag:s0] =	ssyncadd.tile.s32 @!p0 $0x1;
	_ =	shalt  }
.Lfunc_end2:
_tile_overlayer_lowered:
.L_overlay_start_2:
0xa4: {  	(tag) =	ssettag $0x2  }
0xa5: {  	s0 =	rddreg [dreg:$0x0];
	s2 =	stileid.u32  }
0xa6: {  	s1 =	rddreg [dreg:$0x1];
	p0 =	sne.s32 s2, $0x0  }
0xa7: {  	s3 =	rddreg [dreg:$0x2];
	[bflag:$0x3] =	sbarrier.arrive $0xFFFF;
	s2 =	simm.s32 @!p0 $0x1C08  }
0xa8: {  	[timem:s3], [sflag:s2] =	dma.local @!p0 [hbm:s0], s1  }
0xa9: {  	s0 =	simm.s32 @!p0 $0x8  }
0xaa: {  	_ =	swait.ge @!p0 [sflag:s0], s1  }
0xab: {  	s1 =	ssub.s32 @!p0 $0x0, s1;
	[sflag:s0] =	ssyncset.done @!p0 $0x0  }
0xac: {  	[sflag:s0] =	ssyncadd.s32 @!p0 s1  }
0xad: {  	[bflag:$0x3] =	sbarrier.arrive $0xFFFF  }
0xae: {  	_ =	shalt  }

// kernel: sparse-core-data-format-call.cloned.1.call-start
scs
called_computation_lowered:
.L_overlay_start_0:
0x0: {  	s2 =	sld [smem:$0x3FD9]  }
0x1: {  	s3 =	sld [smem:$0x3FFE];
	_ =	sdelay $0x1  }
0x2: {  	s1 =	srdreg.scid  }
0x3: {  	s0 =	sand.u32 $0x1, s1  }
0x4: {  	s18 =	sshll.u32 s0, $0xA;
	s2 =	sadd.s32 s3, s2  }
0x5: {  	s2 =	sadd.s32 s2, s18  }
0x6: {  	[smem:$0x3FC7] =	sst s2  }
0x7: {  	_ = 	snop  }
0x8: {  	s2 =	sld [smem:$0x3FD0];
	(tm) =	ssettm $0x1  }
0x9: {  	s19 =	sld [smem:$0x3FFB];
	_ =	sdelay $0x3  }
0xa: {  	_ =	strace s19  }
0xb: {  	s3 =	sld [smem:$0x3FFC];
	_ =	sdelay $0x3  }
0xc: {  	_ =	strace s3  }
0xd: {  	s3 =	sld [smem:$0x3FFD];
	_ =	sdelay $0x3  }
0xe: {  	_ =	strace s3  }
0xf: {  	_ =	strace $0x8FFFFFFF  }
0x10: {  	s20 =	sld [smem:$0x3FDB];
	_ =	sdelay $0x1  }
0x11: {  	s4 =	simm.s32 $_scs_section_size  }
0x12: {  	s5 =	simm.s32 $_size__tile_overlayer_lowered;
	s6 =	simm.s32 $_tile_overlayer_lowered  }
0x13: {  	s23 =	simm.s32 $0x1BFF;
	s22 =	sshll.u32 s6, $0x1;
	s3 =	sadd.s32 s4, s20  }
0x14: {  	s7 =	simm.s32 $0x0;
	s21 =	sshll.u32 s5, $0x1;
	s5 =	sadd.s32 s22, s3  }
0x15: {  	[timem:s7], [sflag:s23] =	dma.local [hbm:s5], s21  }
0x16: {  	_ =	swait.ge [sflag:s23], s21  }
0x17: {  	s4 =	ssub.s32 $0x0, s21;
	[sflag:s23] =	ssyncset.done $0x0  }
0x18: {  	[sflag:s23] =	ssyncadd.s32 s4;
	_ =	sdelay $0x1  }
0x19: {  	s24 =	simm.s32 $0x1B8B  }
0x1a: {  	_ =	swait.ge [sflag:s24], $0x1  }
0x1b: {  	[sflag:s24] =	ssyncset.done $0x0  }
0x1c: {  	s26 =	simm.s32 $0x1B8E;
	s25 =	sld [smem:$0x3FFE];
	[sflag:s24] =	ssyncadd.s32 $0xFFFFFFFF  }
0x1d: {  	s27 =	simm.s32 $execute0_lowered;
	[smem:$0x3FD2] =	sst s26  }
0x1e: {  	s5 =	sshll.u32 s27, $0x1;
	_ =	strace $0x80000049;
	[dreg:$0x1] =	wrdreg $0xFFFFFFFF  }
0x1f: {  	s28 =	simm.s32 $_size_execute0_lowered;
	s3 =	sadd.s32 s3, s5;
	[dreg:$0x0] =	wrdreg $0x0  }
0x20: {  	s5 =	sshll.u32 s28, $0x1;
	[dreg:$0x2] =	wrdreg s3  }
0x21: {  	[dreg:$0x3] =	wrdreg s5  }
0x22: {  	[dreg:$0x4] =	wrdreg $0xC0  }
0x23: {  	_ =	task [dreg:s7], $0x5FFFF  }
0x24: {  	[dreg:$0x1] =	wrdreg $0xFFFFFFFF  }
0x25: {  	[dreg:$0x0] =	wrdreg $0x60  }
0x26: {  	[dreg:$0x2] =	wrdreg s25  }
0x27: {  	[dreg:$0x3] =	wrdreg s2  }
0x28: {  	[dreg:$0x4] =	wrdreg $0x9  }
0x29: {  	_ =	task.clear_ibuf [dreg:s7], $0x5FFFF;
	_ =	strace $0x90000049  }
0x2a: {  	s29 =	simm.s32 $0x9;
	_ =	strace $0x8000004B  }
0x2b: {  	_ =	swait.ge [sflag:s29], $0x1  }
0x2c: {  	[sflag:s29] =	ssyncadd.s32 $0xFFFFFFFF  }
0x2d: {  	_ =	strace $0x9000004B  }
0x2e: {  	_ =	sfence  }
0x2f: {  	s30 =	sld [smem:$0x0];
	_ =	sdelay $0x2  }
0x30: {  	s31 =	sshll.u32 s1, $0xD;
	s1 =	sshrl.u32 s1, $0x2  }
0x31: {  	s3 =	sand.u32 $0x4000, s31;
	s1 =	sadd.s32 s1, s30  }
0x32: {  	s0 =	sor.u32 s3, s0;
	s1 =	sshll.u32 s1, $0x11  }
0x33: {  	s0 =	sor.u32 s1, s0  }
0x34: {  	s0 =	sadd.s32 $0x8F2B, s0  }
0x35: {  	[sflag:s0] =	ssyncadd.remote.s32 $0x1  }
0x36: {  	_ =	sfence.sel $0xFFFF  }
0x37: {  	[dreg:$0x0] =	wrdreg $0xFFFFFFFF;
	(pc) =	sbr.abs _section_cstart, $3  }
0x38: {  	[dreg:$0x1] =	wrdreg $0xFFFFFFFF  }
0x39: {  	_ =	task.clear_ibuf [dreg:s7], $0x2FFFF;
	_ =	strace $0x9FFFFFFF  }
0x3a: {  	(tm) =	ssettm $0x7FFFFFFF  }
0x3b: {  	_ =	shalt  }
tec
execute0_lowered:
.L_overlay_start_1:
0x0: {  	(tag) =	ssettag $0x1  }
0x1: {  	s4 =	rddreg [dreg:$0x0];
	s0 =	stileid.u32  }
0x2: {  	s2 =	rddreg [dreg:$0x1];
	s5 =	srdreg.scid  }
0x3: {  	s1 =	rddreg [dreg:$0x2];
	_ =	strace $0x8000004A;
	s10 =	simm.s32 $0x2  }
0x4: {  	s13 =	simm.s32 $0x0;
	p0 =	por $0x0, $0x0;
	s14 =	simm.s32 $0x0  }
0x5: {  	s15 =	simm.s32 $0x0;
	s3 =	sshrl.u32 s0, $0x1;
	s5 =	sshll.u32 s5, $0x4  }
0x6: {  	s12 =	simm.s32 $0x0;
	s3 =	sand.u32 $0x3, s3;
	s5 =	sand.u32 $0x10, s5  }
0x7: {  	s31 =	sshll.u32 s0, $0x7;
	s6 =	sshll.u32 s3, $0x6;
	s5 =	sor.u32 s0, s5  }
.Ltmp0:
0x8: {  	s8 =	sadd.s32 s6, s4;
	s6 =	simm.s32 $0x1;
	(pc) =	sbr.rel .LBB1_1-.Ltmp0, $4  }
0x9: {  	s4 =	sand.u32 $0x80, s31;
	s5 =	sshrl.u32 s5, $0x3;
	[sflag:s6] =	ssyncpa.u1 $0x0  }
0xa: {  	s7 =	ssub.s32 $0x2800, s4;
	s9 =	sshll.u32 s5, $0x4;
	s11 =	smov.u32 s4  }
0xb: {  	s7 =	sshrl.u32 s7, $0x8;
	s8 =	sadd.s32 s9, s8;
	[sflag:s10] =	ssyncpa.u1 $0x0  }
0xc: {  	s10 =	simm.s32 $0x14400;
	s8 =	sadd.s32 $0x800, s8;
	s9 =	sadd.s32 $0x2, s7  }
.LBB1_5:
0xd: {  	s16 =	sadd.s32 $0x100, s11  }
0xe: {  	p2 =	sgt.s32 s16, $0x2801  }
0xf: {  	s16 =	smov.u32 @p2 s4;
	p2 =	sne.s32 s12, s9  }
.Ltmp1:
0x10: {  	p1 =	slt.u32 s12, $0x2;
	(pc) =	sbr.rel @!p2 .LBB1_6-.Ltmp1, $4  }
0x11: {  	s17 =	sadd.s32 $0x1, s12;
	s13 =	simm.s32 @!p1 $0x2  }
0x12: {  	s15 =	smov.u32 s11;
	p0 =	por !p0, !p0;
	_ =	swait.ge @!p1 [sflag:s13], $0x2000  }
0x13: {  	s14 =	smov.u32 s3;
	s12 =	smov.u32 s17;
	[sflag:s13] =	ssyncset.done @!p1 $0x0  }
0x14: {  	s11 =	smov.u32 s16;
	[sflag:s13] =	ssyncadd.s32 @!p1 $0xFFFFE000;
	s13 =	smov.u32 s5  }
.LBB1_1:
0x15: {  	p1 =	sgt.u32 s12, s7  }
0x16: {  	p2 =	sgt.s32 @!p1 s11, $0x2782  }
0x17: {  	s16 =	smov.u32 s11;
	s17 =	sshra.s32 @!p1 s11, $0x1F;
	p2 =	por !p2, p1  }
0x18: {  	s17 =	sand.u32 @!p1 s17, s11;
	s16 =	simm.s32 @p2 $0x2782  }
0x19: {  	s16 =	ssub.s32 @!p1 s16, s17  }
0x1a: {  	s18 =	sxor.u32 @!p1 $0xFFFFFFFF, s12;
	s16 =	sadd.s32 @!p1 $0xFFFFD87E, s16  }
0x1b: {  	s19 =	simm.s32 @!p1 $0x40;
	s20 =	simm.s32 @!p1 $0x800;
	s17 =	sshll.u32 @!p1 s16, $0x6  }
0x1c: {  	p2 =	sgt.s32 @!p1 s16, $0x7F;
	s16 =	ssub.s32 @!p1 $0x2000, s17;
	s17 =	sshll.u32 @!p1 s18, $0xD  }
0x1d: {  	p2 =	por !p2, p1;
	s18 =	sshll.u32 @!p1 s11, $0x8;
	s16 =	sand.u32 @!p1 $0x3FFFFFC0, s16  }
0x1e: {  	s17 =	sand.u32 @!p1 $0x2000, s17;
	s18 =	sadd.s32 @!p1 s18, s8;
	s16 =	simm.s32 @!p2 $0x0  }
0x1f: {  	[tilespmem:s17], [sflag:$0x1] =	stream.strided.gather @!p1 [hbm4b:s18+s19], s16, s20, s19, $0x38;
	[tilespmem:$0x8080] =	vst v63  }
0x20: {  	p1 =	seq.s32 s12, $0x0  }
0x21: {  	p2 =	sge.u32 @!p1 s12, s9  }
0x22: {  	p1 =	por p1, p2  }
.Ltmp2:
0x23: {  	_ = 	snop;
	(pc) =	sbr.rel @p1 .LBB1_5-.Ltmp2, $1  }
0x24: {  	_ =	sdelay $0x3  }
0x25: {  	p1 =	sgt.s32 s15, $0x2782;
	s16 =	smov.u32 s15;
	s17 =	sshra.s32 s15, $0x1F  }
0x26: {  	s16 =	simm.s32 @!p1 $0x2782;
	s17 =	sand.u32 s17, s15  }
0x27: {  	s16 =	ssub.s32 s16, s17  }
0x28: {  	s16 =	sadd.s32 $0xFFFFD87E, s16  }
0x29: {  	s28 =	sshll.u32 s16, $0x6  }
0x2a: {  	s17 =	ssub.s32 $0x2000, s28  }
0x2b: {  	p1 =	sgt.s32 s16, $0x7F;
	s16 =	sand.u32 $0x3FFFFFC0, s17  }
0x2c: {  	s17 =	simm.s32 $0x1;
	s16 =	simm.s32 @p1 $0x0  }
0x2d: {  	s17 =	simm.s32 @!p0 $0x0;
	_ =	swait.ge [sflag:s6], s16  }
0x2e: {  	s18 =	sshll.u32 s17, $0xD;
	s16 =	ssub.s32 $0x0, s16;
	[sflag:s6] =	ssyncset.done $0x0  }
0x2f: {  	s20 =	sor.u32 $0x20, s18;
	[sflag:s6] =	ssyncadd.s32 s16  }
0x30: {  	s29 =	smul.u32 $0x8100, s17;
	v3 =	vld [tilespmem:s20+$0x10]  }
0x31: {  	s30 =	sand.u32 $0x1, s12;
	v2 =	vld [tilespmem:s20+$0xFFFFFFF0]  }
0x32: {  	s17 =	smul.u32 $0x8100, s30;
	s16 =	sshrl.u32 s29, $0x2;
	v0 =	vld [tilespmem:s20+$0x0]  }
0x33: {  	s18 =	sor.u32 $0x4000, s16;
	v1 =	vld [tilespmem:s20+$0xFFFFFFE0]  }
0x34: {  	s31 =	sshrl.u32 s17, $0x2;
	s17 =	sadd.s32 $0x0, s18  }
0x35: {  	s19 =	simm.s32 $0x4;
	s16 =	sor.u32 $0x4000, s31;
	s20 =	sadd.s32 $0x40, s20;
	[tilespmem:s17+$0x1830 ss:$0x81] =	vst.msk $0xffff, v3  }
.LBB1_3:
0x36: {  	v3 =	vld [tilespmem:s20+$0x10];
	p1 =	sne.s32 s19, $0x1FC;
	[tilespmem:s17+$0x810 ss:$0x81] =	vst.msk $0xffff, v2;
	s21 =	smov.u32 s19;
	s19 =	sadd.s32 $0x4, s19  }
.Ltmp3:
0x37: {  	v2 =	vld [tilespmem:s20+$0xFFFFFFF0];
	[tilespmem:s17+$0x1020 ss:$0x81] =	vst.msk $0xffff, v0;
	(pc) =	sbr.rel @p1 .LBB1_3-.Ltmp3, $4  }
0x38: {  	v0 =	vld [tilespmem:s20+$0x0];
	[tilespmem:s17+$0x0 ss:$0x81] =	vst.msk $0xffff, v1  }
0x39: {  	s17 =	sshra.s32 s21, $0x2;
	v1 =	vld [tilespmem:s20+$0xFFFFFFE0]  }
0x3a: {  	s17 =	sadd.s32 s17, s18  }
0x3b: {  	s20 =	sadd.s32 $0x40, s20;
	[tilespmem:s17+$0x1830 ss:$0x81] =	vst.msk $0xffff, v3  }
0x3c: {  	s18 =	sshll.u32 s15, $0x3  }
0x3d: {  	s30 =	sand.u32 $0x7F, s15;
	s18 =	sand.u32 $0xFFFFFC00, s18  }
0x3e: {  	s15 =	sor.u32 s30, s18;
	s18 =	smulhi.u32 $0xCA4587E7, s18  }
0x3f: {  	s19 =	smulhi.u32 $0xCA4587E7, s15  }
0x40: {  	s14 =	smul.u32 $0x51000, s14  }
0x41: {  	s13 =	smul.u32 $0x14400, s13;
	s18 =	sshrl.u32 s18, $0xD;
	s19 =	sshrl.u32 s19, $0xD  }
0x42: {  	s18 =	sand.u32 $0x3F, s18;
	s19 =	smul.u32 $0x2880, s19  }
0x43: {  	s18 =	smul.u32 $0x510, s18  }
.Ltmp4:
0x44: {  	s14 =	sadd.s32 s2, s14;
	s15 =	ssub.s32 s15, s19;
	(pc) =	sbr.rel .LBB1_5-.Ltmp4, $4  }
0x45: {  	[tilespmem:s17+$0x810 ss:$0x81] =	vst.msk $0xffff, v2;
	s13 =	sadd.s32 s13, s14;
	s31 =	sand.u32 $0x7, s15  }
0x46: {  	[tilespmem:s17+$0x1020 ss:$0x81] =	vst.msk $0xffff, v0;
	s13 =	sadd.s32 s18, s13;
	s15 =	sshrl.u32 s15, $0x3;
	s14 =	sshll.u32 s31, $0x12  }
0x47: {  	[tilespmem:s17+$0x0 ss:$0x81] =	vst.msk $0xffff, v1;
	s13 =	sadd.s32 s15, s13;
	s14 =	sor.u32 $0x400, s14  }
0x48: {  	[hbm4b:s13+s14] =	stream.strided.scatter [tilespmem:s16], [sflag:$0x2], $0x2000, s10, s14, $0x20;
	[tilespmem:$0x8080] =	vst v63  }
.LBB1_6:
0x49: {  	_ =	sfence.sel $0x180000  }
0x4a: {  	s2 =	simm.s32 $0x1;
	[bflag:$0x0] =	sbarrier.arrive $0xFFFF  }
0x4b: {  	s31 =	simm.s32 $0x2;
	[sflag:s2] =	ssyncpa.u1 $0x1  }
0x4c: {  	[sflag:s31] =	ssyncpa.u1 $0x1  }
0x4d: {  	p0 =	sne.s32 s0, $0x0;
	_ =	strace $0x9000004A  }
0x4e: {  	s0 =	sadd.s32 @!p0 $0x100000, s1;
	[bflag:$0x2] =	sbarrier.arrive $0xFFFF  }
0x4f: {  	[sflag:s0] =	ssyncadd.tile.s32 @!p0 $0x1;
	_ =	shalt  }
.Lfunc_end1:
_tile_overlayer_lowered:
.L_overlay_start_2:
0x50: {  	(tag) =	ssettag $0x2  }
0x51: {  	s0 =	rddreg [dreg:$0x0];
	s2 =	stileid.u32  }
0x52: {  	s1 =	rddreg [dreg:$0x1];
	p0 =	sne.s32 s2, $0x0  }
0x53: {  	s3 =	rddreg [dreg:$0x2];
	[bflag:$0x3] =	sbarrier.arrive $0xFFFF;
	s2 =	simm.s32 @!p0 $0x1C01  }
0x54: {  	[timem:s3], [sflag:s2] =	dma.local @!p0 [hbm:s0], s1  }
0x55: {  	s0 =	simm.s32 @!p0 $0x1  }
0x56: {  	_ =	swait.ge @!p0 [sflag:s0], s1  }
0x57: {  	s1 =	ssub.s32 @!p0 $0x0, s1;
	[sflag:s0] =	ssyncset.done @!p0 $0x0  }
0x58: {  	[sflag:s0] =	ssyncadd.s32 @!p0 s1  }
0x59: {  	[bflag:$0x3] =	sbarrier.arrive $0xFFFF  }
0x5a: {  	_ =	shalt  }

</sc_bundles>
